<compile_context>
chip_gen: v7x
topology: tpu7x:2x2x1
jax: 0.10.2.dev20260603
libtpu: 0.0.44.dev20260713+nightly
codegen_flags: <defaults>
</compile_context>

<pallas_src>
import functools

import jax
import jax.numpy as jnp
from jax import lax
from jax.experimental import pallas as pl
from jax.experimental.pallas import tpu as pltpu
from jax.experimental.pallas import tpu_sc as plsc

_info = plsc.get_sparse_core_info()
_NC, _NS = _info.num_cores, _info.num_subcores
_NW = _NC * _NS


def _make_gather(V: int, D: int, B: int, S: int):
    N = B * S
    b_per_w = N // _NW
    CH = 64
    NBUF = 3
    n_ch = b_per_w // CH
    mesh = plsc.VectorSubcoreMesh(core_axis_name="c", subcore_axis_name="s")

    @functools.partial(
        pl.kernel,
        mesh=mesh,
        out_type=jax.ShapeDtypeStruct((N, D), jnp.float32),
        scratch_types=[
            pltpu.VMEM((b_per_w,), jnp.int32),
            pltpu.VMEM((NBUF, CH, D), jnp.float32),
        ]
        + [pltpu.SemaphoreType.DMA] * (2 * NBUF),
    )
    def gather(idx_hbm, table_hbm, out_hbm, idx_v, rows_v, *sems):
        gsem, ssem = sems[:NBUF], sems[NBUF:]
        wid = lax.axis_index("s") * _NC + lax.axis_index("c")
        base = wid * b_per_w
        w_per_row = S // b_per_w
        pltpu.sync_copy(
            idx_hbm.at[wid // w_per_row, pl.ds((wid % w_per_row) * b_per_w, b_per_w)],
            idx_v,
        )
        g = [None] * n_ch
        s = [None] * n_ch

        def issue_gather(c):
            g[c] = pltpu.async_copy(
                table_hbm.at[idx_v.at[pl.ds(c * CH, CH)]],
                rows_v.at[c % NBUF],
                gsem[c % NBUF],
            )

        for c in range(min(NBUF, n_ch)):
            issue_gather(c)
        for c in range(n_ch):
            g[c].wait()
            s[c] = pltpu.async_copy(
                rows_v.at[c % NBUF],
                out_hbm.at[pl.ds(base + c * CH, CH)],
                ssem[c % NBUF],
            )
            if c + NBUF < n_ch:
                s[c].wait()
                issue_gather(c + NBUF)
        for c in range(max(0, n_ch - NBUF), n_ch):
            s[c].wait()

    return gather


def kernel(input_ids, embed_table):
    B, S = input_ids.shape
    V, D = embed_table.shape
    out = _make_gather(V, D, B, S)(input_ids.astype(jnp.int32), embed_table)
    return out.reshape(B, S, D)

# --- scband reference (transcript-rebuilt; emitter-appended) ---
"""Pipeline reference for scband-text-embedder-20143396618316 (READ-ONLY COPY).

The authoritative reference and input builder live on the scoring server;
editing this copy changes nothing except your own understanding.
"""

import jax, jax.numpy as jnp
import numpy as np

VOCAB = 262144
HIDDEN = 640
BATCH = 4
SEQ = 2048


def setup_inputs(seed: int = 0) -> dict:
    key = jax.random.key(seed)
    k_idx, k_tbl = jax.random.split(key)
    input_ids = jax.random.randint(k_idx, (BATCH, SEQ), 0, VOCAB, dtype=jnp.int64 if jax.config.read('jax_enable_x64') else jnp.int32)
    embed_table = jax.random.normal(k_tbl, (VOCAB, HIDDEN), dtype=jnp.float32) * 0.02
    return {"input_ids": input_ids, "embed_table": embed_table}


def reference(input_ids, embed_table):
    # nn.Embedding forward: row gather from the embedding table
    return jnp.take(embed_table, input_ids, axis=0)

if __name__ == "__main__":
    import jax
    _d = setup_inputs()
    print(jax.jit(kernel)(*tuple(_d.values())))

</pallas_src>

<mosaic_0001>
#map = affine_map<(d0, d1) -> (0, 0)>
module attributes {stable_mosaic.version = 14 : i64} {
  func.func @gather(%arg0: i32, %arg1: i32, %arg2: memref<4x2048xi32, #tpu.memory_space<hbm>>, %arg3: memref<262144x640xf32, #tpu.memory_space<hbm>>, %arg4: memref<8192x640xf32, #tpu.memory_space<hbm>>, %arg5: memref<256xi32, #tpu.memory_space<vmem>>, %arg6: memref<3x64x640xf32, #tpu.memory_space<vmem>>, %arg7: memref<!tpu.dma_semaphore, #tpu.memory_space<semaphore_mem>>, %arg8: memref<!tpu.dma_semaphore, #tpu.memory_space<semaphore_mem>>, %arg9: memref<!tpu.dma_semaphore, #tpu.memory_space<semaphore_mem>>, %arg10: memref<!tpu.dma_semaphore, #tpu.memory_space<semaphore_mem>>, %arg11: memref<!tpu.dma_semaphore, #tpu.memory_space<semaphore_mem>>, %arg12: memref<!tpu.dma_semaphore, #tpu.memory_space<semaphore_mem>>) attributes {dimension_semantics = [#tpu.dimension_semantics<core_parallel>, #tpu.dimension_semantics<subcore_parallel>], iteration_bounds = array<i64: 2, 16>, scalar_prefetch = 0 : i64, scratch_operands = 8 : i64, tpu.core_type = #tpu.core_type<sc_vector_subcore>, window_params = [{transform_indices = #map}, {transform_indices = #map}, {transform_indices = #map}]} {
    %mul3A = arith.constant 2 : i32
    %mul3A_0 = arith.muli %arg1, %mul3A : i32
    %add3A = arith.addi %mul3A_0, %arg0 : i32
    %mul3A_1 = arith.constant 256 : i32
    %mul3A_2 = arith.muli %add3A, %mul3A_1 : i32
    %jit3A = arith.constant 8 : i32
    %div3A = arith.divsi %add3A, %jit3A : i32
    %sign3A = arith.constant 0 : i32
    %sign3A_3 = arith.cmpi sgt, %add3A, %sign3A : i32
    %sign3A_4 = arith.extui %sign3A_3 : i1 to i32
    %sign3A_5 = arith.constant 0 : i32
    %sign3A_6 = arith.cmpi slt, %add3A, %sign3A_5 : i32
    %sign3A_7 = arith.extui %sign3A_6 : i1 to i32
    %sign3A_8 = arith.subi %sign3A_4, %sign3A_7 : i32
    %sign3A_9 = arith.constant 0 : i32
    %sign3A_10 = arith.cmpi sgt, %jit3A, %sign3A_9 : i32
    %sign3A_11 = arith.extui %sign3A_10 : i1 to i32
    %sign3A_12 = arith.constant 0 : i32
    %sign3A_13 = arith.cmpi slt, %jit3A, %sign3A_12 : i32
    %sign3A_14 = arith.extui %sign3A_13 : i1 to i32
    %sign3A_15 = arith.subi %sign3A_11, %sign3A_14 : i32
    %ne3A = arith.cmpi ne, %sign3A_8, %sign3A_15 : i32
    %rem3A = arith.remsi %add3A, %jit3A : i32
    %ne3A_16 = arith.constant 0 : i32
    %ne3A_17 = arith.cmpi ne, %rem3A, %ne3A_16 : i32
    %and3A = arith.andi %ne3A, %ne3A_17 : i1
    %sub3A = arith.constant 1 : i32
    %sub3A_18 = arith.subi %div3A, %sub3A : i32
    %select_n3A = arith.select %and3A, %sub3A_18, %div3A : i32
    %jit3A_19 = arith.constant 8 : i32
    %eq3A = arith.constant 0 : i32
    %eq3A_20 = arith.cmpi eq, %jit3A_19, %eq3A : i32
    %jit3A_21 = arith.constant 1 : i32
    %select_n3A_22 = arith.select %eq3A_20, %jit3A_21, %jit3A_19 : i32
    %rem3A_23 = arith.remsi %add3A, %select_n3A_22 : i32
    %ne3A_24 = arith.constant 0 : i32
    %ne3A_25 = arith.cmpi ne, %rem3A_23, %ne3A_24 : i32
    %lt3A = arith.constant 0 : i32
    %lt3A_26 = arith.cmpi slt, %rem3A_23, %lt3A : i32
    %lt3A_27 = arith.constant 0 : i32
    %lt3A_28 = arith.cmpi slt, %select_n3A_22, %lt3A_27 : i32
    %ne3A_29 = arith.xori %lt3A_26, %lt3A_28 : i1
    %and3A_30 = arith.andi %ne3A_29, %ne3A_25 : i1
    %add3A_31 = arith.addi %rem3A_23, %select_n3A_22 : i32
    %select_n3A_32 = arith.select %and3A_30, %add3A_31, %rem3A_23 : i32
    %mul3A_33 = arith.constant 256 : i32
    %mul3A_34 = arith.muli %select_n3A_32, %mul3A_33 : i32
    "tpu.region"() ({
      %run_scoped3A = tpu.sem_alloc : memref<!tpu.dma_semaphore, #tpu.memory_space<semaphore_mem>>
      %dma_start3A_225 = tpu.memref_slice %arg2[%select_n3A, %mul3A_34] : memref<4x2048xi32, #tpu.memory_space<hbm>> -> memref<1x256xi32, #tpu.memory_space<hbm>>
      %dma_start3A_226 = tpu.memref_squeeze %dma_start3A_225 : memref<1x256xi32, #tpu.memory_space<hbm>> -> memref<256xi32, #tpu.memory_space<hbm>>
      %dma_start3A_227 = tpu.memref_slice %arg2[%select_n3A, %mul3A_34] : memref<4x2048xi32, #tpu.memory_space<hbm>> -> memref<1x256xi32, #tpu.memory_space<hbm>>
      %dma_start3A_228 = tpu.memref_squeeze %dma_start3A_227 : memref<1x256xi32, #tpu.memory_space<hbm>> -> memref<256xi32, #tpu.memory_space<hbm>>
      tpu.enqueue_dma source(%dma_start3A_228 : memref<256xi32, #tpu.memory_space<hbm>>) target(%arg5 : memref<256xi32, #tpu.memory_space<vmem>>) target_semaphore(%run_scoped3A : memref<!tpu.dma_semaphore, #tpu.memory_space<semaphore_mem>>)
      %dma_wait3A_229 = tpu.memref_slice %arg2[%select_n3A, %mul3A_34] : memref<4x2048xi32, #tpu.memory_space<hbm>> -> memref<1x256xi32, #tpu.memory_space<hbm>>
      %dma_wait3A_230 = tpu.memref_squeeze %dma_wait3A_229 : memref<1x256xi32, #tpu.memory_space<hbm>> -> memref<256xi32, #tpu.memory_space<hbm>>
      %dma_wait3A_231 = tpu.memref_slice %arg2[%select_n3A, %mul3A_34] : memref<4x2048xi32, #tpu.memory_space<hbm>> -> memref<1x256xi32, #tpu.memory_space<hbm>>
      %dma_wait3A_232 = tpu.memref_squeeze %dma_wait3A_231 : memref<1x256xi32, #tpu.memory_space<hbm>> -> memref<256xi32, #tpu.memory_space<hbm>>
      tpu.wait_dma2 semaphore(%run_scoped3A : memref<!tpu.dma_semaphore, #tpu.memory_space<semaphore_mem>>) src(%dma_wait3A_232 : memref<256xi32, #tpu.memory_space<hbm>>) dst(%arg5 : memref<256xi32, #tpu.memory_space<vmem>>)
      tpu.yield
    }) : () -> ()
    %dma_start3A = arith.constant 0 : i32
    %dma_start3A_35 = arith.constant 0 : i32
    %dma_start3A_36 = arith.constant 0 : i32
    %dma_start3A_37 = tpu.memref_slice %arg6[%dma_start3A, %dma_start3A_35, %dma_start3A_36] : memref<3x64x640xf32, #tpu.memory_space<vmem>> -> memref<1x64x640xf32, #tpu.memory_space<vmem>>
    %dma_start3A_38 = tpu.memref_squeeze %dma_start3A_37 : memref<1x64x640xf32, #tpu.memory_space<vmem>> -> memref<64x640xf32, #tpu.memory_space<vmem>>
    %dma_start3A_39 = arith.constant 0 : i32
    %dma_start3A_40 = tpu.memref_slice %arg5[%dma_start3A_39] : memref<256xi32, #tpu.memory_space<vmem>> -> memref<64xi32, #tpu.memory_space<vmem>>
    %dma_start3A_41 = arith.constant 0 : i32
    %dma_start3A_42 = arith.constant 0 : i32
    %dma_start3A_43 = tpu.memref_slice %arg3[%dma_start3A_41, %dma_start3A_42] : memref<262144x640xf32, #tpu.memory_space<hbm>> -> memref<262144x640xf32, #tpu.memory_space<hbm>>
    tpu.enqueue_indirect_dma source(%dma_start3A_43 : memref<262144x640xf32, #tpu.memory_space<hbm>>) target(%dma_start3A_38 : memref<64x640xf32, #tpu.memory_space<vmem>>) offsets(%dma_start3A_40 : memref<64xi32, #tpu.memory_space<vmem>>) semaphore(%arg7 : memref<!tpu.dma_semaphore, #tpu.memory_space<semaphore_mem>>)
    %dma_start3A_44 = arith.constant 1 : i32
    %dma_start3A_45 = arith.constant 0 : i32
    %dma_start3A_46 = arith.constant 0 : i32
    %dma_start3A_47 = tpu.memref_slice %arg6[%dma_start3A_44, %dma_start3A_45, %dma_start3A_46] : memref<3x64x640xf32, #tpu.memory_space<vmem>> -> memref<1x64x640xf32, #tpu.memory_space<vmem>>
    %dma_start3A_48 = tpu.memref_squeeze %dma_start3A_47 : memref<1x64x640xf32, #tpu.memory_space<vmem>> -> memref<64x640xf32, #tpu.memory_space<vmem>>
    %dma_start3A_49 = arith.constant 64 : i32
    %dma_start3A_50 = tpu.memref_slice %arg5[%dma_start3A_49] : memref<256xi32, #tpu.memory_space<vmem>> -> memref<64xi32, #tpu.memory_space<vmem>>
    %dma_start3A_51 = arith.constant 0 : i32
    %dma_start3A_52 = arith.constant 0 : i32
    %dma_start3A_53 = tpu.memref_slice %arg3[%dma_start3A_51, %dma_start3A_52] : memref<262144x640xf32, #tpu.memory_space<hbm>> -> memref<262144x640xf32, #tpu.memory_space<hbm>>
    tpu.enqueue_indirect_dma source(%dma_start3A_53 : memref<262144x640xf32, #tpu.memory_space<hbm>>) target(%dma_start3A_48 : memref<64x640xf32, #tpu.memory_space<vmem>>) offsets(%dma_start3A_50 : memref<64xi32, #tpu.memory_space<vmem>>) semaphore(%arg8 : memref<!tpu.dma_semaphore, #tpu.memory_space<semaphore_mem>>)
    %dma_start3A_54 = arith.constant 2 : i32
    %dma_start3A_55 = arith.constant 0 : i32
    %dma_start3A_56 = arith.constant 0 : i32
    %dma_start3A_57 = tpu.memref_slice %arg6[%dma_start3A_54, %dma_start3A_55, %dma_start3A_56] : memref<3x64x640xf32, #tpu.memory_space<vmem>> -> memref<1x64x640xf32, #tpu.memory_space<vmem>>
    %dma_start3A_58 = tpu.memref_squeeze %dma_start3A_57 : memref<1x64x640xf32, #tpu.memory_space<vmem>> -> memref<64x640xf32, #tpu.memory_space<vmem>>
    %dma_start3A_59 = arith.constant 128 : i32
    %dma_start3A_60 = tpu.memref_slice %arg5[%dma_start3A_59] : memref<256xi32, #tpu.memory_space<vmem>> -> memref<64xi32, #tpu.memory_space<vmem>>
    %dma_start3A_61 = arith.constant 0 : i32
    %dma_start3A_62 = arith.constant 0 : i32
    %dma_start3A_63 = tpu.memref_slice %arg3[%dma_start3A_61, %dma_start3A_62] : memref<262144x640xf32, #tpu.memory_space<hbm>> -> memref<262144x640xf32, #tpu.memory_space<hbm>>
    tpu.enqueue_indirect_dma source(%dma_start3A_63 : memref<262144x640xf32, #tpu.memory_space<hbm>>) target(%dma_start3A_58 : memref<64x640xf32, #tpu.memory_space<vmem>>) offsets(%dma_start3A_60 : memref<64xi32, #tpu.memory_space<vmem>>) semaphore(%arg9 : memref<!tpu.dma_semaphore, #tpu.memory_space<semaphore_mem>>)
    %dma_wait3A = arith.constant 0 : i32
    %dma_wait3A_64 = arith.constant 0 : i32
    %dma_wait3A_65 = arith.constant 0 : i32
    %dma_wait3A_66 = tpu.memref_slice %arg6[%dma_wait3A, %dma_wait3A_64, %dma_wait3A_65] : memref<3x64x640xf32, #tpu.memory_space<vmem>> -> memref<1x64x640xf32, #tpu.memory_space<vmem>>
    %dma_wait3A_67 = tpu.memref_squeeze %dma_wait3A_66 : memref<1x64x640xf32, #tpu.memory_space<vmem>> -> memref<64x640xf32, #tpu.memory_space<vmem>>
    %dma_wait3A_68 = arith.constant 0 : i32
    %dma_wait3A_69 = tpu.memref_slice %arg5[%dma_wait3A_68] : memref<256xi32, #tpu.memory_space<vmem>> -> memref<64xi32, #tpu.memory_space<vmem>>
    %dma_wait3A_70 = arith.constant 0 : i32
    %dma_wait3A_71 = arith.constant 0 : i32
    %dma_wait3A_72 = tpu.memref_slice %arg3[%dma_wait3A_70, %dma_wait3A_71] : memref<262144x640xf32, #tpu.memory_space<hbm>> -> memref<262144x640xf32, #tpu.memory_space<hbm>>
    tpu.wait_indirect_dma semaphore(%arg7 : memref<!tpu.dma_semaphore, #tpu.memory_space<semaphore_mem>>) src(%dma_wait3A_72 : memref<262144x640xf32, #tpu.memory_space<hbm>>) dst(%dma_wait3A_67 : memref<64x640xf32, #tpu.memory_space<vmem>>)
    %add3A_73 = arith.constant 0 : i32
    %add3A_74 = arith.addi %mul3A_2, %add3A_73 : i32
    %dma_start3A_75 = arith.constant 0 : i32
    %dma_start3A_76 = arith.constant 0 : i32
    %dma_start3A_77 = arith.constant 0 : i32
    %dma_start3A_78 = tpu.memref_slice %arg6[%dma_start3A_75, %dma_start3A_76, %dma_start3A_77] : memref<3x64x640xf32, #tpu.memory_space<vmem>> -> memref<1x64x640xf32, #tpu.memory_space<vmem>>
    %dma_start3A_79 = tpu.memref_squeeze %dma_start3A_78 : memref<1x64x640xf32, #tpu.memory_space<vmem>> -> memref<64x640xf32, #tpu.memory_space<vmem>>
    %dma_start3A_80 = arith.constant 0 : i32
    %dma_start3A_81 = tpu.memref_slice %arg4[%add3A_74, %dma_start3A_80] : memref<8192x640xf32, #tpu.memory_space<hbm>> -> memref<64x640xf32, #tpu.memory_space<hbm>>
    %dma_start3A_82 = arith.constant 0 : i32
    %dma_start3A_83 = tpu.memref_slice %arg4[%add3A_74, %dma_start3A_82] : memref<8192x640xf32, #tpu.memory_space<hbm>> -> memref<64x640xf32, #tpu.memory_space<hbm>>
    %dma_start3A_84 = arith.constant 0 : i32
    %dma_start3A_85 = arith.constant 0 : i32
    %dma_start3A_86 = tpu.memref_slice %arg6[%dma_start3A_75, %dma_start3A_84, %dma_start3A_85] : memref<3x64x640xf32, #tpu.memory_space<vmem>> -> memref<1x64x640xf32, #tpu.memory_space<vmem>>
    %dma_start3A_87 = tpu.memref_squeeze %dma_start3A_86 : memref<1x64x640xf32, #tpu.memory_space<vmem>> -> memref<64x640xf32, #tpu.memory_space<vmem>>
    tpu.enqueue_dma source(%dma_start3A_87 : memref<64x640xf32, #tpu.memory_space<vmem>>) target(%dma_start3A_83 : memref<64x640xf32, #tpu.memory_space<hbm>>) target_semaphore(%arg10 : memref<!tpu.dma_semaphore, #tpu.memory_space<semaphore_mem>>)
    %dma_wait3A_88 = arith.constant 0 : i32
    %dma_wait3A_89 = arith.constant 0 : i32
    %dma_wait3A_90 = arith.constant 0 : i32
    %dma_wait3A_91 = tpu.memref_slice %arg6[%dma_wait3A_88, %dma_wait3A_89, %dma_wait3A_90] : memref<3x64x640xf32, #tpu.memory_space<vmem>> -> memref<1x64x640xf32, #tpu.memory_space<vmem>>
    %dma_wait3A_92 = tpu.memref_squeeze %dma_wait3A_91 : memref<1x64x640xf32, #tpu.memory_space<vmem>> -> memref<64x640xf32, #tpu.memory_space<vmem>>
    %dma_wait3A_93 = arith.constant 0 : i32
    %dma_wait3A_94 = tpu.memref_slice %arg4[%add3A_74, %dma_wait3A_93] : memref<8192x640xf32, #tpu.memory_space<hbm>> -> memref<64x640xf32, #tpu.memory_space<hbm>>
    %dma_wait3A_95 = arith.constant 0 : i32
    %dma_wait3A_96 = tpu.memref_slice %arg4[%add3A_74, %dma_wait3A_95] : memref<8192x640xf32, #tpu.memory_space<hbm>> -> memref<64x640xf32, #tpu.memory_space<hbm>>
    %dma_wait3A_97 = arith.constant 0 : i32
    %dma_wait3A_98 = arith.constant 0 : i32
    %dma_wait3A_99 = tpu.memref_slice %arg6[%dma_wait3A_88, %dma_wait3A_97, %dma_wait3A_98] : memref<3x64x640xf32, #tpu.memory_space<vmem>> -> memref<1x64x640xf32, #tpu.memory_space<vmem>>
    %dma_wait3A_100 = tpu.memref_squeeze %dma_wait3A_99 : memref<1x64x640xf32, #tpu.memory_space<vmem>> -> memref<64x640xf32, #tpu.memory_space<vmem>>
    tpu.wait_dma2 semaphore(%arg10 : memref<!tpu.dma_semaphore, #tpu.memory_space<semaphore_mem>>) src(%dma_wait3A_100 : memref<64x640xf32, #tpu.memory_space<vmem>>) dst(%dma_wait3A_96 : memref<64x640xf32, #tpu.memory_space<hbm>>)
    %dma_start3A_101 = arith.constant 0 : i32
    %dma_start3A_102 = arith.constant 0 : i32
    %dma_start3A_103 = arith.constant 0 : i32
    %dma_start3A_104 = tpu.memref_slice %arg6[%dma_start3A_101, %dma_start3A_102, %dma_start3A_103] : memref<3x64x640xf32, #tpu.memory_space<vmem>> -> memref<1x64x640xf32, #tpu.memory_space<vmem>>
    %dma_start3A_105 = tpu.memref_squeeze %dma_start3A_104 : memref<1x64x640xf32, #tpu.memory_space<vmem>> -> memref<64x640xf32, #tpu.memory_space<vmem>>
    %dma_start3A_106 = arith.constant 192 : i32
    %dma_start3A_107 = tpu.memref_slice %arg5[%dma_start3A_106] : memref<256xi32, #tpu.memory_space<vmem>> -> memref<64xi32, #tpu.memory_space<vmem>>
    %dma_start3A_108 = arith.constant 0 : i32
    %dma_start3A_109 = arith.constant 0 : i32
    %dma_start3A_110 = tpu.memref_slice %arg3[%dma_start3A_108, %dma_start3A_109] : memref<262144x640xf32, #tpu.memory_space<hbm>> -> memref<262144x640xf32, #tpu.memory_space<hbm>>
    tpu.enqueue_indirect_dma source(%dma_start3A_110 : memref<262144x640xf32, #tpu.memory_space<hbm>>) target(%dma_start3A_105 : memref<64x640xf32, #tpu.memory_space<vmem>>) offsets(%dma_start3A_107 : memref<64xi32, #tpu.memory_space<vmem>>) semaphore(%arg7 : memref<!tpu.dma_semaphore, #tpu.memory_space<semaphore_mem>>)
    %dma_wait3A_111 = arith.constant 1 : i32
    %dma_wait3A_112 = arith.constant 0 : i32
    %dma_wait3A_113 = arith.constant 0 : i32
    %dma_wait3A_114 = tpu.memref_slice %arg6[%dma_wait3A_111, %dma_wait3A_112, %dma_wait3A_113] : memref<3x64x640xf32, #tpu.memory_space<vmem>> -> memref<1x64x640xf32, #tpu.memory_space<vmem>>
    %dma_wait3A_115 = tpu.memref_squeeze %dma_wait3A_114 : memref<1x64x640xf32, #tpu.memory_space<vmem>> -> memref<64x640xf32, #tpu.memory_space<vmem>>
    %dma_wait3A_116 = arith.constant 64 : i32
    %dma_wait3A_117 = tpu.memref_slice %arg5[%dma_wait3A_116] : memref<256xi32, #tpu.memory_space<vmem>> -> memref<64xi32, #tpu.memory_space<vmem>>
    %dma_wait3A_118 = arith.constant 0 : i32
    %dma_wait3A_119 = arith.constant 0 : i32
    %dma_wait3A_120 = tpu.memref_slice %arg3[%dma_wait3A_118, %dma_wait3A_119] : memref<262144x640xf32, #tpu.memory_space<hbm>> -> memref<262144x640xf32, #tpu.memory_space<hbm>>
    tpu.wait_indirect_dma semaphore(%arg8 : memref<!tpu.dma_semaphore, #tpu.memory_space<semaphore_mem>>) src(%dma_wait3A_120 : memref<262144x640xf32, #tpu.memory_space<hbm>>) dst(%dma_wait3A_115 : memref<64x640xf32, #tpu.memory_space<vmem>>)
    %add3A_121 = arith.constant 64 : i32
    %add3A_122 = arith.addi %mul3A_2, %add3A_121 : i32
    %dma_start3A_123 = arith.constant 1 : i32
    %dma_start3A_124 = arith.constant 0 : i32
    %dma_start3A_125 = arith.constant 0 : i32
    %dma_start3A_126 = tpu.memref_slice %arg6[%dma_start3A_123, %dma_start3A_124, %dma_start3A_125] : memref<3x64x640xf32, #tpu.memory_space<vmem>> -> memref<1x64x640xf32, #tpu.memory_space<vmem>>
    %dma_start3A_127 = tpu.memref_squeeze %dma_start3A_126 : memref<1x64x640xf32, #tpu.memory_space<vmem>> -> memref<64x640xf32, #tpu.memory_space<vmem>>
    %dma_start3A_128 = arith.constant 0 : i32
    %dma_start3A_129 = tpu.memref_slice %arg4[%add3A_122, %dma_start3A_128] : memref<8192x640xf32, #tpu.memory_space<hbm>> -> memref<64x640xf32, #tpu.memory_space<hbm>>
    %dma_start3A_130 = arith.constant 0 : i32
    %dma_start3A_131 = tpu.memref_slice %arg4[%add3A_122, %dma_start3A_130] : memref<8192x640xf32, #tpu.memory_space<hbm>> -> memref<64x640xf32, #tpu.memory_space<hbm>>
    %dma_start3A_132 = arith.constant 0 : i32
    %dma_start3A_133 = arith.constant 0 : i32
    %dma_start3A_134 = tpu.memref_slice %arg6[%dma_start3A_123, %dma_start3A_132, %dma_start3A_133] : memref<3x64x640xf32, #tpu.memory_space<vmem>> -> memref<1x64x640xf32, #tpu.memory_space<vmem>>
    %dma_start3A_135 = tpu.memref_squeeze %dma_start3A_134 : memref<1x64x640xf32, #tpu.memory_space<vmem>> -> memref<64x640xf32, #tpu.memory_space<vmem>>
    tpu.enqueue_dma source(%dma_start3A_135 : memref<64x640xf32, #tpu.memory_space<vmem>>) target(%dma_start3A_131 : memref<64x640xf32, #tpu.memory_space<hbm>>) target_semaphore(%arg11 : memref<!tpu.dma_semaphore, #tpu.memory_space<semaphore_mem>>)
    %dma_wait3A_136 = arith.constant 2 : i32
    %dma_wait3A_137 = arith.constant 0 : i32
    %dma_wait3A_138 = arith.constant 0 : i32
    %dma_wait3A_139 = tpu.memref_slice %arg6[%dma_wait3A_136, %dma_wait3A_137, %dma_wait3A_138] : memref<3x64x640xf32, #tpu.memory_space<vmem>> -> memref<1x64x640xf32, #tpu.memory_space<vmem>>
    %dma_wait3A_140 = tpu.memref_squeeze %dma_wait3A_139 : memref<1x64x640xf32, #tpu.memory_space<vmem>> -> memref<64x640xf32, #tpu.memory_space<vmem>>
    %dma_wait3A_141 = arith.constant 128 : i32
    %dma_wait3A_142 = tpu.memref_slice %arg5[%dma_wait3A_141] : memref<256xi32, #tpu.memory_space<vmem>> -> memref<64xi32, #tpu.memory_space<vmem>>
    %dma_wait3A_143 = arith.constant 0 : i32
    %dma_wait3A_144 = arith.constant 0 : i32
    %dma_wait3A_145 = tpu.memref_slice %arg3[%dma_wait3A_143, %dma_wait3A_144] : memref<262144x640xf32, #tpu.memory_space<hbm>> -> memref<262144x640xf32, #tpu.memory_space<hbm>>
    tpu.wait_indirect_dma semaphore(%arg9 : memref<!tpu.dma_semaphore, #tpu.memory_space<semaphore_mem>>) src(%dma_wait3A_145 : memref<262144x640xf32, #tpu.memory_space<hbm>>) dst(%dma_wait3A_140 : memref<64x640xf32, #tpu.memory_space<vmem>>)
    %add3A_146 = arith.constant 128 : i32
    %add3A_147 = arith.addi %mul3A_2, %add3A_146 : i32
    %dma_start3A_148 = arith.constant 2 : i32
    %dma_start3A_149 = arith.constant 0 : i32
    %dma_start3A_150 = arith.constant 0 : i32
    %dma_start3A_151 = tpu.memref_slice %arg6[%dma_start3A_148, %dma_start3A_149, %dma_start3A_150] : memref<3x64x640xf32, #tpu.memory_space<vmem>> -> memref<1x64x640xf32, #tpu.memory_space<vmem>>
    %dma_start3A_152 = tpu.memref_squeeze %dma_start3A_151 : memref<1x64x640xf32, #tpu.memory_space<vmem>> -> memref<64x640xf32, #tpu.memory_space<vmem>>
    %dma_start3A_153 = arith.constant 0 : i32
    %dma_start3A_154 = tpu.memref_slice %arg4[%add3A_147, %dma_start3A_153] : memref<8192x640xf32, #tpu.memory_space<hbm>> -> memref<64x640xf32, #tpu.memory_space<hbm>>
    %dma_start3A_155 = arith.constant 0 : i32
    %dma_start3A_156 = tpu.memref_slice %arg4[%add3A_147, %dma_start3A_155] : memref<8192x640xf32, #tpu.memory_space<hbm>> -> memref<64x640xf32, #tpu.memory_space<hbm>>
    %dma_start3A_157 = arith.constant 0 : i32
    %dma_start3A_158 = arith.constant 0 : i32
    %dma_start3A_159 = tpu.memref_slice %arg6[%dma_start3A_148, %dma_start3A_157, %dma_start3A_158] : memref<3x64x640xf32, #tpu.memory_space<vmem>> -> memref<1x64x640xf32, #tpu.memory_space<vmem>>
    %dma_start3A_160 = tpu.memref_squeeze %dma_start3A_159 : memref<1x64x640xf32, #tpu.memory_space<vmem>> -> memref<64x640xf32, #tpu.memory_space<vmem>>
    tpu.enqueue_dma source(%dma_start3A_160 : memref<64x640xf32, #tpu.memory_space<vmem>>) target(%dma_start3A_156 : memref<64x640xf32, #tpu.memory_space<hbm>>) target_semaphore(%arg12 : memref<!tpu.dma_semaphore, #tpu.memory_space<semaphore_mem>>)
    %dma_wait3A_161 = arith.constant 0 : i32
    %dma_wait3A_162 = arith.constant 0 : i32
    %dma_wait3A_163 = arith.constant 0 : i32
    %dma_wait3A_164 = tpu.memref_slice %arg6[%dma_wait3A_161, %dma_wait3A_162, %dma_wait3A_163] : memref<3x64x640xf32, #tpu.memory_space<vmem>> -> memref<1x64x640xf32, #tpu.memory_space<vmem>>
    %dma_wait3A_165 = tpu.memref_squeeze %dma_wait3A_164 : memref<1x64x640xf32, #tpu.memory_space<vmem>> -> memref<64x640xf32, #tpu.memory_space<vmem>>
    %dma_wait3A_166 = arith.constant 192 : i32
    %dma_wait3A_167 = tpu.memref_slice %arg5[%dma_wait3A_166] : memref<256xi32, #tpu.memory_space<vmem>> -> memref<64xi32, #tpu.memory_space<vmem>>
    %dma_wait3A_168 = arith.constant 0 : i32
    %dma_wait3A_169 = arith.constant 0 : i32
    %dma_wait3A_170 = tpu.memref_slice %arg3[%dma_wait3A_168, %dma_wait3A_169] : memref<262144x640xf32, #tpu.memory_space<hbm>> -> memref<262144x640xf32, #tpu.memory_space<hbm>>
    tpu.wait_indirect_dma semaphore(%arg7 : memref<!tpu.dma_semaphore, #tpu.memory_space<semaphore_mem>>) src(%dma_wait3A_170 : memref<262144x640xf32, #tpu.memory_space<hbm>>) dst(%dma_wait3A_165 : memref<64x640xf32, #tpu.memory_space<vmem>>)
    %add3A_171 = arith.constant 192 : i32
    %add3A_172 = arith.addi %mul3A_2, %add3A_171 : i32
    %dma_start3A_173 = arith.constant 0 : i32
    %dma_start3A_174 = arith.constant 0 : i32
    %dma_start3A_175 = arith.constant 0 : i32
    %dma_start3A_176 = tpu.memref_slice %arg6[%dma_start3A_173, %dma_start3A_174, %dma_start3A_175] : memref<3x64x640xf32, #tpu.memory_space<vmem>> -> memref<1x64x640xf32, #tpu.memory_space<vmem>>
    %dma_start3A_177 = tpu.memref_squeeze %dma_start3A_176 : memref<1x64x640xf32, #tpu.memory_space<vmem>> -> memref<64x640xf32, #tpu.memory_space<vmem>>
    %dma_start3A_178 = arith.constant 0 : i32
    %dma_start3A_179 = tpu.memref_slice %arg4[%add3A_172, %dma_start3A_178] : memref<8192x640xf32, #tpu.memory_space<hbm>> -> memref<64x640xf32, #tpu.memory_space<hbm>>
    %dma_start3A_180 = arith.constant 0 : i32
    %dma_start3A_181 = tpu.memref_slice %arg4[%add3A_172, %dma_start3A_180] : memref<8192x640xf32, #tpu.memory_space<hbm>> -> memref<64x640xf32, #tpu.memory_space<hbm>>
    %dma_start3A_182 = arith.constant 0 : i32
    %dma_start3A_183 = arith.constant 0 : i32
    %dma_start3A_184 = tpu.memref_slice %arg6[%dma_start3A_173, %dma_start3A_182, %dma_start3A_183] : memref<3x64x640xf32, #tpu.memory_space<vmem>> -> memref<1x64x640xf32, #tpu.memory_space<vmem>>
    %dma_start3A_185 = tpu.memref_squeeze %dma_start3A_184 : memref<1x64x640xf32, #tpu.memory_space<vmem>> -> memref<64x640xf32, #tpu.memory_space<vmem>>
    tpu.enqueue_dma source(%dma_start3A_185 : memref<64x640xf32, #tpu.memory_space<vmem>>) target(%dma_start3A_181 : memref<64x640xf32, #tpu.memory_space<hbm>>) target_semaphore(%arg10 : memref<!tpu.dma_semaphore, #tpu.memory_space<semaphore_mem>>)
    %dma_wait3A_186 = arith.constant 1 : i32
    %dma_wait3A_187 = arith.constant 0 : i32
    %dma_wait3A_188 = arith.constant 0 : i32
    %dma_wait3A_189 = tpu.memref_slice %arg6[%dma_wait3A_186, %dma_wait3A_187, %dma_wait3A_188] : memref<3x64x640xf32, #tpu.memory_space<vmem>> -> memref<1x64x640xf32, #tpu.memory_space<vmem>>
    %dma_wait3A_190 = tpu.memref_squeeze %dma_wait3A_189 : memref<1x64x640xf32, #tpu.memory_space<vmem>> -> memref<64x640xf32, #tpu.memory_space<vmem>>
    %dma_wait3A_191 = arith.constant 0 : i32
    %dma_wait3A_192 = tpu.memref_slice %arg4[%add3A_122, %dma_wait3A_191] : memref<8192x640xf32, #tpu.memory_space<hbm>> -> memref<64x640xf32, #tpu.memory_space<hbm>>
    %dma_wait3A_193 = arith.constant 0 : i32
    %dma_wait3A_194 = tpu.memref_slice %arg4[%add3A_122, %dma_wait3A_193] : memref<8192x640xf32, #tpu.memory_space<hbm>> -> memref<64x640xf32, #tpu.memory_space<hbm>>
    %dma_wait3A_195 = arith.constant 0 : i32
    %dma_wait3A_196 = arith.constant 0 : i32
    %dma_wait3A_197 = tpu.memref_slice %arg6[%dma_wait3A_186, %dma_wait3A_195, %dma_wait3A_196] : memref<3x64x640xf32, #tpu.memory_space<vmem>> -> memref<1x64x640xf32, #tpu.memory_space<vmem>>
    %dma_wait3A_198 = tpu.memref_squeeze %dma_wait3A_197 : memref<1x64x640xf32, #tpu.memory_space<vmem>> -> memref<64x640xf32, #tpu.memory_space<vmem>>
    tpu.wait_dma2 semaphore(%arg11 : memref<!tpu.dma_semaphore, #tpu.memory_space<semaphore_mem>>) src(%dma_wait3A_198 : memref<64x640xf32, #tpu.memory_space<vmem>>) dst(%dma_wait3A_194 : memref<64x640xf32, #tpu.memory_space<hbm>>)
    %dma_wait3A_199 = arith.constant 2 : i32
    %dma_wait3A_200 = arith.constant 0 : i32
    %dma_wait3A_201 = arith.constant 0 : i32
    %dma_wait3A_202 = tpu.memref_slice %arg6[%dma_wait3A_199, %dma_wait3A_200, %dma_wait3A_201] : memref<3x64x640xf32, #tpu.memory_space<vmem>> -> memref<1x64x640xf32, #tpu.memory_space<vmem>>
    %dma_wait3A_203 = tpu.memref_squeeze %dma_wait3A_202 : memref<1x64x640xf32, #tpu.memory_space<vmem>> -> memref<64x640xf32, #tpu.memory_space<vmem>>
    %dma_wait3A_204 = arith.constant 0 : i32
    %dma_wait3A_205 = tpu.memref_slice %arg4[%add3A_147, %dma_wait3A_204] : memref<8192x640xf32, #tpu.memory_space<hbm>> -> memref<64x640xf32, #tpu.memory_space<hbm>>
    %dma_wait3A_206 = arith.constant 0 : i32
    %dma_wait3A_207 = tpu.memref_slice %arg4[%add3A_147, %dma_wait3A_206] : memref<8192x640xf32, #tpu.memory_space<hbm>> -> memref<64x640xf32, #tpu.memory_space<hbm>>
    %dma_wait3A_208 = arith.constant 0 : i32
    %dma_wait3A_209 = arith.constant 0 : i32
    %dma_wait3A_210 = tpu.memref_slice %arg6[%dma_wait3A_199, %dma_wait3A_208, %dma_wait3A_209] : memref<3x64x640xf32, #tpu.memory_space<vmem>> -> memref<1x64x640xf32, #tpu.memory_space<vmem>>
    %dma_wait3A_211 = tpu.memref_squeeze %dma_wait3A_210 : memref<1x64x640xf32, #tpu.memory_space<vmem>> -> memref<64x640xf32, #tpu.memory_space<vmem>>
    tpu.wait_dma2 semaphore(%arg12 : memref<!tpu.dma_semaphore, #tpu.memory_space<semaphore_mem>>) src(%dma_wait3A_211 : memref<64x640xf32, #tpu.memory_space<vmem>>) dst(%dma_wait3A_207 : memref<64x640xf32, #tpu.memory_space<hbm>>)
    %dma_wait3A_212 = arith.constant 0 : i32
    %dma_wait3A_213 = arith.constant 0 : i32
    %dma_wait3A_214 = arith.constant 0 : i32
    %dma_wait3A_215 = tpu.memref_slice %arg6[%dma_wait3A_212, %dma_wait3A_213, %dma_wait3A_214] : memref<3x64x640xf32, #tpu.memory_space<vmem>> -> memref<1x64x640xf32, #tpu.memory_space<vmem>>
    %dma_wait3A_216 = tpu.memref_squeeze %dma_wait3A_215 : memref<1x64x640xf32, #tpu.memory_space<vmem>> -> memref<64x640xf32, #tpu.memory_space<vmem>>
    %dma_wait3A_217 = arith.constant 0 : i32
    %dma_wait3A_218 = tpu.memref_slice %arg4[%add3A_172, %dma_wait3A_217] : memref<8192x640xf32, #tpu.memory_space<hbm>> -> memref<64x640xf32, #tpu.memory_space<hbm>>
    %dma_wait3A_219 = arith.constant 0 : i32
    %dma_wait3A_220 = tpu.memref_slice %arg4[%add3A_172, %dma_wait3A_219] : memref<8192x640xf32, #tpu.memory_space<hbm>> -> memref<64x640xf32, #tpu.memory_space<hbm>>
    %dma_wait3A_221 = arith.constant 0 : i32
    %dma_wait3A_222 = arith.constant 0 : i32
    %dma_wait3A_223 = tpu.memref_slice %arg6[%dma_wait3A_212, %dma_wait3A_221, %dma_wait3A_222] : memref<3x64x640xf32, #tpu.memory_space<vmem>> -> memref<1x64x640xf32, #tpu.memory_space<vmem>>
    %dma_wait3A_224 = tpu.memref_squeeze %dma_wait3A_223 : memref<1x64x640xf32, #tpu.memory_space<vmem>> -> memref<64x640xf32, #tpu.memory_space<vmem>>
    tpu.wait_dma2 semaphore(%arg10 : memref<!tpu.dma_semaphore, #tpu.memory_space<semaphore_mem>>) src(%dma_wait3A_224 : memref<64x640xf32, #tpu.memory_space<vmem>>) dst(%dma_wait3A_220 : memref<64x640xf32, #tpu.memory_space<hbm>>)
    return
  }
}

</mosaic_0001>

<sc_bundles>
// kernel: kernel.3.cloned.1.call-start
scs
__scs_entry_jumppad:
0x0: {  	(pc) =	sbr.rel $0x88, $3  }
0x1: {  	(tag) =	ssettag $0x0;
	lr =	simm.s32 $0x1  }
0x2: {  	[smem:$0x3F9F] =	sst lr;
	_ =	strace $0xD0000000  }
0x3: {  	_ = 	snop  }
0x4: {  	_ = 	snop  }
0x5: {  	_ = 	snop  }
0x6: {  	_ = 	snop  }
0x7: {  	_ = 	snop  }
__scs_overlays_trampoline_lowered:
0x8: {  	[smem:$0x3FAE] =	sst s0  }
0x9: {  	[smem:$0x3FAF] =	sst s1  }
0xa: {  	[smem:$0x3FB0] =	sst s2  }
0xb: {  	[smem:$0x3FB1] =	sst s3  }
0xc: {  	[smem:$0x3FB2] =	sst s4  }
0xd: {  	[smem:$0x3FB3] =	sst s5  }
0xe: {  	[smem:$0x3FB4] =	sst s6  }
0xf: {  	[smem:$0x3FB5] =	sst s7  }
0x10: {  	[smem:$0x3FB6] =	sst s8  }
0x11: {  	[smem:$0x3FB7] =	sst s9;
	s0 =	simm.s32 @!p0 $0x0  }
0x12: {  	s1 =	sld [smem:$0x3F9D];
	s0 =	simm.s32 @p0 $0x1  }
0x13: {  	[smem:$0x3FB8] =	sst s0;
	s0 =	simm.s32 @!p1 $0x0  }
0x14: {  	s2 =	sld [smem:$0x3F9C];
	s0 =	simm.s32 @p1 $0x1  }
0x15: {  	[smem:$0x3FB9] =	sst s0;
	s0 =	simm.s32 @!p2 $0x0  }
0x16: {  	s3 =	sld [smem:$0x3FDB];
	s0 =	simm.s32 @p2 $0x1  }
0x17: {  	s4 =	simm.s32 $0x1BF5;
	[smem:$0x3FBB] =	sst s0  }
0x18: {  	s0 =	sld [smem:$0x3F9E];
	_ =	swait.ge [sflag:s4], $0x0  }
0x19: {  	s7 =	sld [smem:$0x3F9F]  }
0x1a: {  	s8 =	sadd.s32 $0xFFFFE003, lr  }
0x1b: {  	s9 =	sadd.s32 $0xFFFFFEF7, lr;
	s5 =	simm.s32 $0xFFFFFFFF;
	p2 =	slt.u32 s8, $0xFFFFF086  }
0x1c: {  	p1 =	slt.u32 s9, $0xF7A;
	s5 =	simm.s32 @!p2 $0x0  }
0x1d: {  	s5 =	simm.s32 @p1 $0x1;
	p0 =	seq.s32 s7, s2  }
0x1e: {  	s7 =	smul.u32 @!p0 $0xF7A, s2;
	p2 =	seq.s32 @!p0 s5, $0x0  }
0x1f: {  	s9 =	smul.u32 $0xF7A, s1;
	s8 =	simm.s32 @!p0 $0x1BF5;
	p2 =	por !p2, p0  }
0x20: {  	[sflag:s8] =	ssyncset.s32 @!p0 $0xFFFFF086;
	s6 =	sadd.s32 @!p0 s3, s7;
	s7 =	simm.s32 @!p0 $0x108  }
0x21: {  	s3 =	sadd.s32 s3, s9;
	s6 =	sadd.s32 @!p0 $0x88, s6;
	s7 =	simm.s32 @p2 $0x1082  }
0x22: {  	[simem:s7], [sflag:s8] =	dma.local @!p0 [hbm:s6], $0xF7A  }
0x23: {  	s9 =	sor.u32 $0xD0000000, s2;
	s6 =	simm.s32 $0x108;
	_ =	swait.ge @!p0 [sflag:s8], $0x0  }
0x24: {  	s3 =	sadd.s32 $0x88, s3;
	s6 =	simm.s32 @!p1 $0x1082;
	[sflag:s4] =	ssyncset.s32 $0xFFFFF086  }
0x25: {  	[simem:s6], [sflag:s4] =	dma.local [hbm:s3], $0xF7A  }
0x26: {  	[smem:$0x3F9F] =	sst s1;
	(tag) =	ssettag s2;
	_ =	strace s9  }
0x27: {  	s1 =	sld [smem:$0x3FAF]  }
0x28: {  	s2 =	sld [smem:$0x3FB0]  }
0x29: {  	s4 =	sld [smem:$0x3FB2]  }
0x2a: {  	p0 =	seq.s32 s5, $0x0;
	s5 =	sld [smem:$0x3FB3]  }
0x2b: {  	s6 =	sld [smem:$0x3FB4]  }
0x2c: {  	s7 =	sld [smem:$0x3FB5]  }
0x2d: {  	s3 =	simm.s32 $0x108;
	s8 =	sld [smem:$0x3FB6]  }
0x2e: {  	s3 =	simm.s32 @!p0 $0x1082;
	s9 =	sld [smem:$0x3FB7]  }
0x2f: {  	lr =	sadd.s32 s0, s3;
	s0 =	sld [smem:$0x3FAE]  }
0x30: {  	s3 =	sld [smem:$0x3FB1]  }
0x31: {  	[smem:$0x3FBA] =	sst s10  }
0x32: {  	s10 =	sld [smem:$0x3FB8];
	_ =	sdelay $0x3  }
0x33: {  	p0 =	seq.s32 s10, $0x1;
	s10 =	sld [smem:$0x3FBA];
	_ =	sdelay $0x3  }
0x34: {  	[smem:$0x3FBA] =	sst s10  }
0x35: {  	s10 =	sld [smem:$0x3FB9];
	_ =	sdelay $0x3  }
0x36: {  	p1 =	seq.s32 s10, $0x1;
	s10 =	sld [smem:$0x3FBA];
	_ =	sdelay $0x3  }
0x37: {  	[smem:$0x3FBA] =	sst s10  }
0x38: {  	s10 =	sld [smem:$0x3FBB]  }
0x39: {  	_ = 	snop;
	(pc) =	sbr.ind lr, $3  }
0x3a: {  	_ = 	snop  }
0x3b: {  	_ = 	snop  }
0x3c: {  	p2 =	seq.s32 s10, $0x1;
	s10 =	sld [smem:$0x3FBA]  }
0x3d: {  	_ =	shalt  }
0x3e: {  	_ =	shalt  }
0x3f: {  	_ =	shalt  }
0x40: {  	_ =	shalt  }
0x41: {  	_ =	shalt  }
0x42: {  	_ =	shalt  }
0x43: {  	_ =	shalt  }
0x44: {  	_ =	shalt  }
0x45: {  	_ =	shalt  }
0x46: {  	_ =	shalt  }
0x47: {  	_ =	shalt  }
0x48: {  	_ =	shalt  }
0x49: {  	_ =	shalt  }
0x4a: {  	_ =	shalt  }
0x4b: {  	_ =	shalt  }
0x4c: {  	_ =	shalt  }
0x4d: {  	_ =	shalt  }
0x4e: {  	_ =	shalt  }
0x4f: {  	_ =	shalt  }
0x50: {  	_ =	shalt  }
0x51: {  	_ =	shalt  }
0x52: {  	_ =	shalt  }
0x53: {  	_ =	shalt  }
0x54: {  	_ =	shalt  }
0x55: {  	_ =	shalt  }
0x56: {  	_ =	shalt  }
0x57: {  	_ =	shalt  }
0x58: {  	_ =	shalt  }
0x59: {  	_ =	shalt  }
0x5a: {  	_ =	shalt  }
0x5b: {  	_ =	shalt  }
0x5c: {  	_ =	shalt  }
0x5d: {  	_ =	shalt  }
0x5e: {  	_ =	shalt  }
0x5f: {  	_ =	shalt  }
0x60: {  	_ =	shalt  }
0x61: {  	_ =	shalt  }
0x62: {  	_ =	shalt  }
0x63: {  	_ =	shalt  }
0x64: {  	_ =	shalt  }
0x65: {  	_ =	shalt  }
0x66: {  	_ =	shalt  }
0x67: {  	_ =	shalt  }
0x68: {  	_ =	shalt  }
0x69: {  	_ =	shalt  }
0x6a: {  	_ =	shalt  }
0x6b: {  	_ =	shalt  }
0x6c: {  	_ =	shalt  }
0x6d: {  	_ =	shalt  }
0x6e: {  	_ =	shalt  }
0x6f: {  	_ =	shalt  }
0x70: {  	_ =	shalt  }
0x71: {  	_ =	shalt  }
0x72: {  	_ =	shalt  }
0x73: {  	_ =	shalt  }
0x74: {  	_ =	shalt  }
0x75: {  	_ =	shalt  }
0x76: {  	_ =	shalt  }
0x77: {  	_ =	shalt  }
0x78: {  	_ =	shalt  }
0x79: {  	_ =	shalt  }
0x7a: {  	_ =	shalt  }
0x7b: {  	_ =	shalt  }
0x7c: {  	_ =	shalt  }
0x7d: {  	_ =	shalt  }
0x7e: {  	_ =	shalt  }
0x7f: {  	_ =	shalt  }
0x80: {  	_ =	shalt  }
0x81: {  	_ =	shalt  }
0x82: {  	_ =	shalt  }
0x83: {  	_ =	shalt  }
0x84: {  	_ =	shalt  }
0x85: {  	_ =	shalt  }
0x86: {  	_ =	shalt  }
0x87: {  	_ =	shalt  }
.Lfunc_end0:
.L_simem_size_0:
called_computation_lowered:
.L_overlay_start_0:
0x88: {  	s2 =	sld [smem:$0x3FD9]  }
0x89: {  	s3 =	sld [smem:$0x3FFE];
	_ =	sdelay $0x1  }
0x8a: {  	s1 =	srdreg.scid  }
0x8b: {  	s0 =	sand.u32 $0x1, s1  }
0x8c: {  	s18 =	sshll.u32 s0, $0xA;
	s2 =	sadd.s32 s3, s2  }
0x8d: {  	s2 =	sadd.s32 s2, s18  }
0x8e: {  	[smem:$0x3FC6] =	sst s2  }
0x8f: {  	_ = 	snop  }
0x90: {  	s2 =	sld [smem:$0x3FC9]  }
0x91: {  	s19 =	sld [smem:$0x3FC8]  }
0x92: {  	s4 =	sld [smem:$0x3FD0];
	(tm) =	ssettm $0x1  }
0x93: {  	s5 =	sld [smem:$0x3FFB];
	_ =	sdelay $0x3  }
0x94: {  	_ =	strace s5  }
0x95: {  	s5 =	sld [smem:$0x3FFC];
	_ =	sdelay $0x3  }
0x96: {  	_ =	strace s5  }
0x97: {  	s5 =	sld [smem:$0x3FFD];
	_ =	sdelay $0x3  }
0x98: {  	_ =	strace s5  }
0x99: {  	_ =	strace $0x8FFFFFFF  }
0x9a: {  	s20 =	sld [smem:$0x3FDB];
	_ =	sdelay $0x1  }
0x9b: {  	s6 =	simm.s32 $_scs_section_size  }
0x9c: {  	s7 =	simm.s32 $_size__tile_overlayer_lowered;
	s8 =	simm.s32 $_tile_overlayer_lowered  }
0x9d: {  	s23 =	simm.s32 $0x1BFF;
	s22 =	sshll.u32 s8, $0x1;
	s5 =	sadd.s32 s6, s20  }
0x9e: {  	s9 =	simm.s32 $0x0;
	s21 =	sshll.u32 s7, $0x1;
	s7 =	sadd.s32 s22, s5  }
0x9f: {  	[timem:s9], [sflag:s23] =	dma.local [hbm:s7], s21  }
0xa0: {  	_ =	swait.ge [sflag:s23], s21  }
0xa1: {  	s6 =	ssub.s32 $0x0, s21;
	[sflag:s23] =	ssyncset.done $0x0  }
0xa2: {  	[sflag:s23] =	ssyncadd.s32 s6;
	_ =	sdelay $0x1  }
0xa3: {  	s24 =	simm.s32 $0x1B8B  }
0xa4: {  	_ =	swait.ge [sflag:s24], $0x1  }
0xa5: {  	[sflag:s24] =	ssyncset.done $0x0  }
0xa6: {  	s25 =	simm.s32 $0x1B8E;
	[sflag:s24] =	ssyncadd.s32 $0xFFFFFFFF  }
0xa7: {  	s26 =	simm.s32 $execute0_lowered;
	[smem:$0x3FD2] =	sst s25  }
0xa8: {  	s6 =	sshll.u32 s26, $0x1;
	_ =	strace $0x80000046;
	[dreg:$0x1] =	wrdreg $0xFFFFFFFF  }
0xa9: {  	s28 =	simm.s32 $_size_execute0_lowered;
	s5 =	sadd.s32 s5, s6;
	[dreg:$0x0] =	wrdreg $0x0  }
0xaa: {  	s6 =	sshll.u32 s28, $0x1;
	[dreg:$0x2] =	wrdreg s5  }
0xab: {  	[dreg:$0x3] =	wrdreg s6  }
0xac: {  	[dreg:$0x4] =	wrdreg $0xC0  }
0xad: {  	_ =	task [dreg:s9], $0x5FFFF  }
0xae: {  	[dreg:$0x1] =	wrdreg $0xFFFFFFFF  }
0xaf: {  	[dreg:$0x0] =	wrdreg $0x60  }
0xb0: {  	[dreg:$0x2] =	wrdreg s2  }
0xb1: {  	[dreg:$0x3] =	wrdreg s19  }
0xb2: {  	[dreg:$0x4] =	wrdreg s4  }
0xb3: {  	[dreg:$0x5] =	wrdreg $0x9  }
0xb4: {  	_ =	task.clear_ibuf [dreg:s9], $0x6FFFF;
	_ =	strace $0x90000046  }
0xb5: {  	s29 =	simm.s32 $0x9;
	_ =	strace $0x80000048  }
0xb6: {  	_ =	swait.ge [sflag:s29], $0x1  }
0xb7: {  	[sflag:s29] =	ssyncadd.s32 $0xFFFFFFFF  }
0xb8: {  	_ =	strace $0x90000048  }
0xb9: {  	_ =	sfence  }
0xba: {  	s30 =	sld [smem:$0x0];
	_ =	sdelay $0x2  }
0xbb: {  	s31 =	sshll.u32 s1, $0xD;
	s1 =	sshrl.u32 s1, $0x2  }
0xbc: {  	s3 =	sand.u32 $0x4000, s31;
	s1 =	sadd.s32 s1, s30  }
0xbd: {  	s0 =	sor.u32 s3, s0;
	s1 =	sshll.u32 s1, $0x11  }
0xbe: {  	s0 =	sor.u32 s1, s0  }
0xbf: {  	s0 =	sadd.s32 $0x8F2B, s0  }
0xc0: {  	[sflag:s0] =	ssyncadd.remote.s32 $0x1  }
0xc1: {  	_ =	sfence.sel $0xFFFF  }
0xc2: {  	[dreg:$0x0] =	wrdreg $0xFFFFFFFF;
	(pc) =	sbr.abs _section_cstart, $3  }
0xc3: {  	[dreg:$0x1] =	wrdreg $0xFFFFFFFF  }
0xc4: {  	_ =	task.clear_ibuf [dreg:s9], $0x2FFFF;
	_ =	strace $0x9FFFFFFF  }
0xc5: {  	(tm) =	ssettm $0x7FFFFFFF  }
tec
execute0_lowered:
.L_overlay_start_1:
0x0: {  	(tag) =	ssettag $0x1  }
0x1: {  	s1 =	rddreg [dreg:$0x0]  }
0x2: {  	s2 =	rddreg [dreg:$0x1]  }
0x3: {  	s4 =	rddreg [dreg:$0x2];
	s3 =	simm.s32 $0x0  }
0x4: {  	s24 =	simm.s32 $0x80;
	[smem:$0x7FF] =	sst s3  }
0x5: {  	s25 =	simm.s32 $0x200;
	_ =	strace $0x80000047;
	[dreg:$0x9] =	wrdreg s24  }
0x6: {  	s26 =	simm.s32 $0xA900;
	[dreg:$0xa] =	wrdreg s25  }
0x7: {  	s9 =	simm.s32 $0xD100;
	[dreg:$0xb] =	wrdreg s26  }
0x8: {  	s10 =	simm.s32 $0xD900;
	[dreg:$0x11] =	wrdreg s9  }
0x9: {  	s11 =	simm.s32 $0xDD00;
	[dreg:$0x12] =	wrdreg s10  }
0xa: {  	s12 =	simm.s32 $0xE500;
	[dreg:$0x13] =	wrdreg s11  }
0xb: {  	s13 =	simm.s32 $0xED00;
	[dreg:$0x14] =	wrdreg s12  }
0xc: {  	s14 =	simm.s32 $0xF100;
	[dreg:$0x15] =	wrdreg s13  }
0xd: {  	s15 =	simm.s32 $0xF900;
	[dreg:$0x16] =	wrdreg s14  }
0xe: {  	s16 =	simm.s32 $0x10100;
	[dreg:$0x17] =	wrdreg s15  }
0xf: {  	s17 =	simm.s32 $0x10500;
	[dreg:$0x18] =	wrdreg s16  }
0x10: {  	s18 =	simm.s32 $0x10D00;
	[dreg:$0x19] =	wrdreg s17  }
0x11: {  	[dreg:$0x1a] =	wrdreg s18;
	s24 =	simm.s32 $0x13500  }
0x12: {  	s25 =	simm.s32 $0x13D00;
	[smem:$0x7E5] =	sst s24  }
0x13: {  	s26 =	simm.s32 $0x14900;
	[smem:$0x7E6] =	sst s25  }
0x14: {  	s9 =	simm.s32 $0x16900;
	[smem:$0x7E7] =	sst s26  }
0x15: {  	s10 =	simm.s32 $0x17100;
	[smem:$0x7EC] =	sst s9  }
0x16: {  	s11 =	simm.s32 $0x17900;
	[smem:$0x7ED] =	sst s10  }
0x17: {  	s0 =	srdreg.scid;
	s12 =	simm.s32 $0x17D00;
	[smem:$0x7EE] =	sst s11  }
0x18: {  	s6 =	stileid.u32;
	s13 =	simm.s32 $0x18500;
	[smem:$0x7EF] =	sst s12  }
0x19: {  	s0 =	sand.u32 $0x1, s0;
	s14 =	simm.s32 $0x18D00;
	[smem:$0x7F0] =	sst s13  }
0x1a: {  	s5 =	sshll.u32 s6, $0x1;
	s15 =	simm.s32 $0x19100;
	[smem:$0x7F1] =	sst s14  }
0x1b: {  	s6 =	sshll.u32 s6, $0x2;
	s16 =	simm.s32 $0x19900;
	[smem:$0x7F2] =	sst s15  }
0x1c: {  	s5 =	sor.u32 s0, s5;
	s17 =	simm.s32 $0x1A100;
	[smem:$0x7F3] =	sst s16  }
0x1d: {  	s6 =	sand.u32 $0x30, s6;
	s18 =	simm.s32 $0x1A500;
	[smem:$0x7F4] =	sst s17  }
0x1e: {  	s1 =	sadd.s32 s1, s6;
	s6 =	simm.s32 $0xBD00;
	[smem:$0x7F5] =	sst s18  }
0x1f: {  	s7 =	sshll.u32 s5, $0x7;
	s24 =	simm.s32 $0x1CD00;
	[dreg:$0xe] =	wrdreg s6  }
0x20: {  	s8 =	smul.u32 $0x28000, s5;
	s25 =	simm.s32 $0x1D500;
	[smem:$0x7FB] =	sst s24  }
0x21: {  	s5 =	smul.u32 $0x5000, s5;
	s26 =	simm.s32 $0x1DD00;
	[smem:$0x7FC] =	sst s25  }
0x22: {  	s7 =	sand.u32 $0x380, s7;
	s6 =	simm.s32 $0x15500;
	[smem:$0x7FD] =	sst s26  }
0x23: {  	s28 =	simm.s32 $0x4500;
	s1 =	sadd.s32 s7, s1;
	[smem:$0x7E9] =	sst s6  }
0x24: {  	s29 =	simm.s32 $0x4D00;
	s20 =	sadd.s32 s4, s5;
	[dreg:$0x4] =	wrdreg s1  }
0x25: {  	s30 =	simm.s32 $0x5100;
	s5 =	simm.s32 $0xB500;
	[dreg:$0x5] =	wrdreg s20  }
0x26: {  	s31 =	simm.s32 $0x5900;
	s7 =	simm.s32 $0xC500;
	[dreg:$0xd] =	wrdreg s5  }
0x27: {  	s19 =	sshrl.u32 s8, $0x3;
	s8 =	simm.s32 $0xC900;
	[dreg:$0xf] =	wrdreg s7  }
0x28: {  	s4 =	sadd.s32 s4, s19;
	[dreg:$0x10] =	wrdreg s8;
	s19 =	simm.s32 $0x11500  }
0x29: {  	s0 =	ssub.s32 $0x2, s0;
	s20 =	simm.s32 $0x11900;
	[dreg:$0x1b] =	wrdreg s19  }
0x2a: {  	s10 =	simm.s32 $0x1;
	s7 =	simm.s32 $0x15D00;
	[dreg:$0x1c] =	wrdreg s20  }
0x2b: {  	s11 =	simm.s32 $0x4;
	s8 =	simm.s32 $0x16500;
	[smem:$0x7EA] =	sst s7  }
0x2c: {  	s12 =	simm.s32 $0x7900;
	s21 =	sadd.s32 $0x1400, s4;
	[smem:$0x7EB] =	sst s8  }
0x2d: {  	s13 =	simm.s32 $0x8100;
	s22 =	sadd.s32 $0x2800, s4;
	[dreg:$0x6] =	wrdreg s21  }
0x2e: {  	s14 =	simm.s32 $0x8900;
	s23 =	sadd.s32 $0x3C00, s4;
	[dreg:$0x7] =	wrdreg s22  }
0x2f: {  	s15 =	simm.s32 $0x8D00;
	s4 =	simm.s32 $0xB100;
	[dreg:$0x8] =	wrdreg s23  }
0x30: {  	s24 =	simm.s32 $0x3100;
	s19 =	simm.s32 $0x1AD00;
	[dreg:$0xc] =	wrdreg s4  }
0x31: {  	s25 =	simm.s32 $0x3900;
	s20 =	simm.s32 $0x1B500;
	[smem:$0x7F6] =	sst s19  }
0x32: {  	s26 =	simm.s32 $0x3D00;
	s21 =	simm.s32 $0x12100;
	[smem:$0x7F7] =	sst s20  }
0x33: {  	s5 =	sshrl.u32 s0, $0x1;
	s22 =	simm.s32 $0x12900;
	[dreg:$0x1d] =	wrdreg s21  }
0x34: {  	s1 =	simm.s32 $0x100;
	s23 =	simm.s32 $0x12D00;
	[dreg:$0x1e] =	wrdreg s22  }
0x35: {  	s0 =	ssub.s32 s0, s5;
	s4 =	simm.s32 $0x15100;
	[dreg:$0x1f] =	wrdreg s23  }
0x36: {  	s5 =	sadd.s32 $0x200, s2;
	[smem:$0x7E8] =	sst s4;
	s21 =	simm.s32 $0x1B900  }
0x37: {  	s6 =	smax.u32 s0, $0x1;
	s22 =	simm.s32 $0x1C100;
	[smem:$0x7F8] =	sst s21  }
0x38: {  	v2 =	vlaneseq.u32;
	s19 =	simm.s32 $0x1100;
	s23 =	simm.s32 $0x1C900;
	[smem:$0x7F9] =	sst s22  }
0x39: {  	vm0 =	vmmov $0xffff;
	vm1 =	vmmov $0xff;
	v1 =	vshrl.u32 v2, $0x3;
	s20 =	simm.s32 $0x1500;
	s4 =	sadd.s32 $0x100, s2;
	[smem:$0x7FA] =	sst s23  }
0x3a: {  	v0 =	vand.u32 $0x7, v2;
	v2 =	vor.u32 $0x8, v2;
	v1 =	vmul.u32 $0x8, v1;
	s21 =	simm.s32 $0x1D00;
	s22 =	simm.s32 $0x2500;
	s23 =	simm.s32 $0x2900  }
.LBB2_1:
0x3b: {  	s16 =	rddreg [dreg:$0x4]  }
0x3c: {  	s17 =	rddreg [dreg:$0x9]  }
0x3d: {  	s18 =	rddreg [dreg:$0xa];
	s0 =	simm.s32 $0x7  }
0x3e: {  	[tilespmem:s3], [sflag:$0x7] =	stream.strided.gather [hbm4b:s16+s17], $0x100, s18, s17, $0x38;
	[tilespmem:$0x1E100] =	vst v63  }
0x3f: {  	_ =	swait.ge [sflag:s0], $0x100  }
0x40: {  	[sflag:s0] =	ssyncset.done $0x0  }
0x41: {  	[sflag:s0] =	ssyncadd.s32 $0xFFFFFF00  }
0x42: {  	v3 =	vld [tilespmem:$0x0];
	_ =	sdelay $0x4  }
0x43: {  	v4 =	vshrl.u32 v3, $0x3  }
0x44: {  	v4 =	vmul.u32 $0x28, v4  }
0x45: {  	v3 =	vand.u32 $0x7, v3  }
0x46: {  	v3 =	vor.u32 v3, v4  }
0x47: {  	v4 =	vperm.xlane v3, v0;
	_ =	sdelay $0x1  }
0x48: {  	v4 =	vadd.s32 v1, v4;
	_ =	sdelay $0x3  }
0x49: {  	v3 =	vperm.xlane v3, v2  }
0x4a: {  	[tilespmem:s1], [sflag:$0x1] =	stream.indirect_vreg.gather [hbm4b:s2+s3], $0x80, v4, vm0, $0xb8;
	[tilespmem:$0x1E100] =	vst v63  }
0x4b: {  	s18 =	simm.s32 $0x900;
	v3 =	vadd.s32 v1, v3  }
0x4c: {  	[tilespmem:s18], [sflag:$0x1] =	stream.indirect_vreg.gather [hbm4b:s4+s3], $0x80, v4, vm0, $0xb8;
	[tilespmem:$0x1E100] =	vst v63  }
0x4d: {  	_ = 	snop  }
0x4e: {  	[tilespmem:s19], [sflag:$0x1] =	stream.indirect_vreg.gather [hbm4b:s5+s3], $0x80, v4, vm1, $0xb8;
	[tilespmem:$0x1E100] =	vst v63  }
0x4f: {  	_ = 	snop  }
0x50: {  	[tilespmem:s20], [sflag:$0x1] =	stream.indirect_vreg.gather [hbm4b:s2+s3], $0x80, v3, vm0, $0xb8;
	[tilespmem:$0x1E100] =	vst v63  }
0x51: {  	_ = 	snop  }
0x52: {  	[tilespmem:s21], [sflag:$0x1] =	stream.indirect_vreg.gather [hbm4b:s4+s3], $0x80, v3, vm0, $0xb8;
	[tilespmem:$0x1E100] =	vst v63  }
0x53: {  	_ = 	snop  }
0x54: {  	[tilespmem:s22], [sflag:$0x1] =	stream.indirect_vreg.gather [hbm4b:s5+s3], $0x80, v3, vm1, $0xb8;
	[tilespmem:$0x1E100] =	vst v63  }
0x55: {  	v3 =	vld [tilespmem:$0x10];
	_ =	sdelay $0x4  }
0x56: {  	v49 =	vshrl.u32 v3, $0x3  }
0x57: {  	v4 =	vmul.u32 $0x28, v49  }
0x58: {  	v3 =	vand.u32 $0x7, v3  }
0x59: {  	v3 =	vor.u32 v3, v4  }
0x5a: {  	v4 =	vperm.xlane v3, v0;
	_ =	sdelay $0x1  }
0x5b: {  	v4 =	vadd.s32 v1, v4;
	_ =	sdelay $0x3  }
0x5c: {  	v3 =	vperm.xlane v3, v2  }
0x5d: {  	[tilespmem:s23], [sflag:$0x1] =	stream.indirect_vreg.gather [hbm4b:s2+s3], $0x80, v4, vm0, $0xb8;
	[tilespmem:$0x1E100] =	vst v63  }
0x5e: {  	v3 =	vadd.s32 v1, v3  }
0x5f: {  	[tilespmem:s24], [sflag:$0x1] =	stream.indirect_vreg.gather [hbm4b:s4+s3], $0x80, v4, vm0, $0xb8;
	[tilespmem:$0x1E100] =	vst v63  }
0x60: {  	_ = 	snop  }
0x61: {  	[tilespmem:s25], [sflag:$0x1] =	stream.indirect_vreg.gather [hbm4b:s5+s3], $0x80, v4, vm1, $0xb8;
	[tilespmem:$0x1E100] =	vst v63  }
0x62: {  	_ = 	snop  }
0x63: {  	[tilespmem:s26], [sflag:$0x1] =	stream.indirect_vreg.gather [hbm4b:s2+s3], $0x80, v3, vm0, $0xb8;
	[tilespmem:$0x1E100] =	vst v63  }
0x64: {  	_ = 	snop  }
0x65: {  	[tilespmem:s28], [sflag:$0x1] =	stream.indirect_vreg.gather [hbm4b:s4+s3], $0x80, v3, vm0, $0xb8;
	[tilespmem:$0x1E100] =	vst v63  }
0x66: {  	_ = 	snop  }
0x67: {  	[tilespmem:s29], [sflag:$0x1] =	stream.indirect_vreg.gather [hbm4b:s5+s3], $0x80, v3, vm1, $0xb8;
	[tilespmem:$0x1E100] =	vst v63  }
0x68: {  	v3 =	vld [tilespmem:$0x20];
	_ =	sdelay $0x4  }
0x69: {  	v50 =	vshrl.u32 v3, $0x3  }
0x6a: {  	v4 =	vmul.u32 $0x28, v50  }
0x6b: {  	v3 =	vand.u32 $0x7, v3  }
0x6c: {  	v3 =	vor.u32 v3, v4  }
0x6d: {  	v4 =	vperm.xlane v3, v0;
	_ =	sdelay $0x1  }
0x6e: {  	v4 =	vadd.s32 v1, v4;
	_ =	sdelay $0x3  }
0x6f: {  	v3 =	vperm.xlane v3, v2  }
0x70: {  	[tilespmem:s30], [sflag:$0x1] =	stream.indirect_vreg.gather [hbm4b:s2+s3], $0x80, v4, vm0, $0xb8;
	[tilespmem:$0x1E100] =	vst v63  }
0x71: {  	v3 =	vadd.s32 v1, v3  }
0x72: {  	[tilespmem:s31], [sflag:$0x1] =	stream.indirect_vreg.gather [hbm4b:s4+s3], $0x80, v4, vm0, $0xb8;
	[tilespmem:$0x1E100] =	vst v63  }
0x73: {  	s8 =	simm.s32 $0x6100  }
0x74: {  	[tilespmem:s8], [sflag:$0x1] =	stream.indirect_vreg.gather [hbm4b:s5+s3], $0x80, v4, vm1, $0xb8;
	[tilespmem:$0x1E100] =	vst v63  }
0x75: {  	s9 =	simm.s32 $0x6500  }
0x76: {  	[tilespmem:s9], [sflag:$0x1] =	stream.indirect_vreg.gather [hbm4b:s2+s3], $0x80, v3, vm0, $0xb8;
	[tilespmem:$0x1E100] =	vst v63  }
0x77: {  	s9 =	simm.s32 $0x6D00  }
0x78: {  	[tilespmem:s9], [sflag:$0x1] =	stream.indirect_vreg.gather [hbm4b:s4+s3], $0x80, v3, vm0, $0xb8;
	[tilespmem:$0x1E100] =	vst v63  }
0x79: {  	s16 =	simm.s32 $0x7500  }
0x7a: {  	[tilespmem:s16], [sflag:$0x1] =	stream.indirect_vreg.gather [hbm4b:s5+s3], $0x80, v3, vm1, $0xb8;
	[tilespmem:$0x1E100] =	vst v63  }
0x7b: {  	v3 =	vld [tilespmem:$0x30];
	_ =	sdelay $0x4  }
0x7c: {  	v51 =	vshrl.u32 v3, $0x3  }
0x7d: {  	v4 =	vmul.u32 $0x28, v51  }
0x7e: {  	v3 =	vand.u32 $0x7, v3  }
0x7f: {  	v3 =	vor.u32 v3, v4  }
0x80: {  	v4 =	vperm.xlane v3, v0;
	_ =	sdelay $0x1  }
0x81: {  	v4 =	vadd.s32 v1, v4;
	_ =	sdelay $0x3  }
0x82: {  	v3 =	vperm.xlane v3, v2  }
0x83: {  	[tilespmem:s12], [sflag:$0x1] =	stream.indirect_vreg.gather [hbm4b:s2+s3], $0x80, v4, vm0, $0xb8;
	[tilespmem:$0x1E100] =	vst v63  }
0x84: {  	v3 =	vadd.s32 v1, v3  }
0x85: {  	[tilespmem:s13], [sflag:$0x1] =	stream.indirect_vreg.gather [hbm4b:s4+s3], $0x80, v4, vm0, $0xb8;
	[tilespmem:$0x1E100] =	vst v63  }
0x86: {  	_ = 	snop  }
0x87: {  	[tilespmem:s14], [sflag:$0x1] =	stream.indirect_vreg.gather [hbm4b:s5+s3], $0x80, v4, vm1, $0xb8;
	[tilespmem:$0x1E100] =	vst v63  }
0x88: {  	_ = 	snop  }
0x89: {  	[tilespmem:s15], [sflag:$0x1] =	stream.indirect_vreg.gather [hbm4b:s2+s3], $0x80, v3, vm0, $0xb8;
	[tilespmem:$0x1E100] =	vst v63  }
0x8a: {  	s8 =	simm.s32 $0x9500  }
0x8b: {  	[tilespmem:s8], [sflag:$0x1] =	stream.indirect_vreg.gather [hbm4b:s4+s3], $0x80, v3, vm0, $0xb8;
	[tilespmem:$0x1E100] =	vst v63  }
0x8c: {  	s17 =	simm.s32 $0x9D00  }
0x8d: {  	[tilespmem:s17], [sflag:$0x1] =	stream.indirect_vreg.gather [hbm4b:s5+s3], $0x80, v3, vm1, $0xb8;
	[tilespmem:$0x1E100] =	vst v63  }
0x8e: {  	v3 =	vld [tilespmem:$0x40];
	_ =	sdelay $0x4  }
0x8f: {  	v52 =	vshrl.u32 v3, $0x3  }
0x90: {  	v4 =	vmul.u32 $0x28, v52  }
0x91: {  	v3 =	vand.u32 $0x7, v3  }
0x92: {  	v3 =	vor.u32 v3, v4  }
0x93: {  	v4 =	vperm.xlane v3, v0;
	_ =	sdelay $0x1  }
0x94: {  	v4 =	vadd.s32 v1, v4;
	_ =	sdelay $0x3  }
0x95: {  	s7 =	simm.s32 $0xA100;
	v3 =	vperm.xlane v3, v2  }
0x96: {  	[tilespmem:s7], [sflag:$0x2] =	stream.indirect_vreg.gather [hbm4b:s2+s3], $0x80, v4, vm0, $0xb8;
	[tilespmem:$0x1E100] =	vst v63  }
0x97: {  	s0 =	rddreg [dreg:$0xb];
	v3 =	vadd.s32 v1, v3  }
0x98: {  	[tilespmem:s0], [sflag:$0x2] =	stream.indirect_vreg.gather [hbm4b:s4+s3], $0x80, v4, vm0, $0xb8;
	[tilespmem:$0x1E100] =	vst v63  }
0x99: {  	s17 =	rddreg [dreg:$0xc]  }
0x9a: {  	[tilespmem:s17], [sflag:$0x2] =	stream.indirect_vreg.gather [hbm4b:s5+s3], $0x80, v4, vm1, $0xb8;
	[tilespmem:$0x1E100] =	vst v63  }
0x9b: {  	s0 =	rddreg [dreg:$0xd]  }
0x9c: {  	[tilespmem:s0], [sflag:$0x2] =	stream.indirect_vreg.gather [hbm4b:s2+s3], $0x80, v3, vm0, $0xb8;
	[tilespmem:$0x1E100] =	vst v63  }
0x9d: {  	s17 =	rddreg [dreg:$0xe]  }
0x9e: {  	[tilespmem:s17], [sflag:$0x2] =	stream.indirect_vreg.gather [hbm4b:s4+s3], $0x80, v3, vm0, $0xb8;
	[tilespmem:$0x1E100] =	vst v63  }
0x9f: {  	s0 =	rddreg [dreg:$0xf]  }
0xa0: {  	[tilespmem:s0], [sflag:$0x2] =	stream.indirect_vreg.gather [hbm4b:s5+s3], $0x80, v3, vm1, $0xb8;
	[tilespmem:$0x1E100] =	vst v63  }
0xa1: {  	v3 =	vld [tilespmem:$0x50];
	_ =	sdelay $0x4  }
0xa2: {  	v53 =	vshrl.u32 v3, $0x3  }
0xa3: {  	v4 =	vmul.u32 $0x28, v53  }
0xa4: {  	v3 =	vand.u32 $0x7, v3  }
0xa5: {  	v3 =	vor.u32 v3, v4  }
0xa6: {  	v4 =	vperm.xlane v3, v0;
	_ =	sdelay $0x1  }
0xa7: {  	v4 =	vadd.s32 v1, v4;
	_ =	sdelay $0x3  }
0xa8: {  	s17 =	rddreg [dreg:$0x10];
	v3 =	vperm.xlane v3, v2  }
0xa9: {  	[tilespmem:s17], [sflag:$0x2] =	stream.indirect_vreg.gather [hbm4b:s2+s3], $0x80, v4, vm0, $0xb8;
	[tilespmem:$0x1E100] =	vst v63  }
0xaa: {  	s0 =	rddreg [dreg:$0x11];
	v3 =	vadd.s32 v1, v3  }
0xab: {  	[tilespmem:s0], [sflag:$0x2] =	stream.indirect_vreg.gather [hbm4b:s4+s3], $0x80, v4, vm0, $0xb8;
	[tilespmem:$0x1E100] =	vst v63  }
0xac: {  	s16 =	rddreg [dreg:$0x12]  }
0xad: {  	[tilespmem:s16], [sflag:$0x2] =	stream.indirect_vreg.gather [hbm4b:s5+s3], $0x80, v4, vm1, $0xb8;
	[tilespmem:$0x1E100] =	vst v63  }
0xae: {  	s0 =	rddreg [dreg:$0x13]  }
0xaf: {  	[tilespmem:s0], [sflag:$0x2] =	stream.indirect_vreg.gather [hbm4b:s2+s3], $0x80, v3, vm0, $0xb8;
	[tilespmem:$0x1E100] =	vst v63  }
0xb0: {  	s16 =	rddreg [dreg:$0x14]  }
0xb1: {  	[tilespmem:s16], [sflag:$0x2] =	stream.indirect_vreg.gather [hbm4b:s4+s3], $0x80, v3, vm0, $0xb8;
	[tilespmem:$0x1E100] =	vst v63  }
0xb2: {  	s0 =	rddreg [dreg:$0x15]  }
0xb3: {  	[tilespmem:s0], [sflag:$0x2] =	stream.indirect_vreg.gather [hbm4b:s5+s3], $0x80, v3, vm1, $0xb8;
	[tilespmem:$0x1E100] =	vst v63  }
0xb4: {  	v3 =	vld [tilespmem:$0x60];
	_ =	sdelay $0x4  }
0xb5: {  	v54 =	vshrl.u32 v3, $0x3  }
0xb6: {  	v4 =	vmul.u32 $0x28, v54  }
0xb7: {  	v3 =	vand.u32 $0x7, v3  }
0xb8: {  	v3 =	vor.u32 v3, v4  }
0xb9: {  	v4 =	vperm.xlane v3, v0;
	_ =	sdelay $0x1  }
0xba: {  	v4 =	vadd.s32 v1, v4;
	_ =	sdelay $0x3  }
0xbb: {  	s17 =	rddreg [dreg:$0x16];
	v3 =	vperm.xlane v3, v2  }
0xbc: {  	[tilespmem:s17], [sflag:$0x2] =	stream.indirect_vreg.gather [hbm4b:s2+s3], $0x80, v4, vm0, $0xb8;
	[tilespmem:$0x1E100] =	vst v63  }
0xbd: {  	s0 =	rddreg [dreg:$0x17];
	v3 =	vadd.s32 v1, v3  }
0xbe: {  	[tilespmem:s0], [sflag:$0x2] =	stream.indirect_vreg.gather [hbm4b:s4+s3], $0x80, v4, vm0, $0xb8;
	[tilespmem:$0x1E100] =	vst v63  }
0xbf: {  	s16 =	rddreg [dreg:$0x18]  }
0xc0: {  	[tilespmem:s16], [sflag:$0x2] =	stream.indirect_vreg.gather [hbm4b:s5+s3], $0x80, v4, vm1, $0xb8;
	[tilespmem:$0x1E100] =	vst v63  }
0xc1: {  	s0 =	rddreg [dreg:$0x19]  }
0xc2: {  	[tilespmem:s0], [sflag:$0x2] =	stream.indirect_vreg.gather [hbm4b:s2+s3], $0x80, v3, vm0, $0xb8;
	[tilespmem:$0x1E100] =	vst v63  }
0xc3: {  	s16 =	rddreg [dreg:$0x1a]  }
0xc4: {  	[tilespmem:s16], [sflag:$0x2] =	stream.indirect_vreg.gather [hbm4b:s4+s3], $0x80, v3, vm0, $0xb8;
	[tilespmem:$0x1E100] =	vst v63  }
0xc5: {  	s0 =	rddreg [dreg:$0x1b]  }
0xc6: {  	[tilespmem:s0], [sflag:$0x2] =	stream.indirect_vreg.gather [hbm4b:s5+s3], $0x80, v3, vm1, $0xb8;
	[tilespmem:$0x1E100] =	vst v63  }
0xc7: {  	v3 =	vld [tilespmem:$0x70];
	_ =	sdelay $0x4  }
0xc8: {  	v55 =	vshrl.u32 v3, $0x3  }
0xc9: {  	v4 =	vmul.u32 $0x28, v55  }
0xca: {  	v3 =	vand.u32 $0x7, v3  }
0xcb: {  	v3 =	vor.u32 v3, v4  }
0xcc: {  	v4 =	vperm.xlane v3, v0;
	_ =	sdelay $0x1  }
0xcd: {  	v4 =	vadd.s32 v1, v4;
	_ =	sdelay $0x2  }
0xce: {  	s17 =	rddreg [dreg:$0x1c]  }
0xcf: {  	s16 =	rddreg [dreg:$0x1e];
	v3 =	vperm.xlane v3, v2  }
0xd0: {  	[tilespmem:s17], [sflag:$0x2] =	stream.indirect_vreg.gather [hbm4b:s2+s3], $0x80, v4, vm0, $0xb8;
	[tilespmem:$0x1E100] =	vst v63  }
0xd1: {  	s0 =	rddreg [dreg:$0x1d];
	v3 =	vadd.s32 v1, v3  }
0xd2: {  	[tilespmem:s0], [sflag:$0x2] =	stream.indirect_vreg.gather [hbm4b:s4+s3], $0x80, v4, vm0, $0xb8;
	[tilespmem:$0x1E100] =	vst v63  }
0xd3: {  	s0 =	rddreg [dreg:$0x1f]  }
0xd4: {  	[tilespmem:s16], [sflag:$0x2] =	stream.indirect_vreg.gather [hbm4b:s5+s3], $0x80, v4, vm1, $0xb8;
	[tilespmem:$0x1E100] =	vst v63  }
0xd5: {  	s16 =	sld [smem:$0x7E5]  }
0xd6: {  	[tilespmem:s0], [sflag:$0x2] =	stream.indirect_vreg.gather [hbm4b:s2+s3], $0x80, v3, vm0, $0xb8;
	[tilespmem:$0x1E100] =	vst v63  }
0xd7: {  	s0 =	sld [smem:$0x7E6]  }
0xd8: {  	[tilespmem:s16], [sflag:$0x2] =	stream.indirect_vreg.gather [hbm4b:s4+s3], $0x80, v3, vm0, $0xb8;
	[tilespmem:$0x1E100] =	vst v63  }
0xd9: {  	_ = 	snop  }
0xda: {  	[tilespmem:s0], [sflag:$0x2] =	stream.indirect_vreg.gather [hbm4b:s5+s3], $0x80, v3, vm1, $0xb8;
	[tilespmem:$0x1E100] =	vst v63  }
0xdb: {  	v3 =	vld [tilespmem:$0x80];
	_ =	sdelay $0x4  }
0xdc: {  	v56 =	vshrl.u32 v3, $0x3  }
0xdd: {  	v4 =	vmul.u32 $0x28, v56  }
0xde: {  	v3 =	vand.u32 $0x7, v3  }
0xdf: {  	v3 =	vor.u32 v3, v4  }
0xe0: {  	v4 =	vperm.xlane v3, v0;
	_ =	sdelay $0x1  }
0xe1: {  	v4 =	vadd.s32 v1, v4;
	_ =	sdelay $0x3  }
0xe2: {  	s16 =	sld [smem:$0x7E7];
	s0 =	simm.s32 $0x14100;
	v3 =	vperm.xlane v3, v2  }
0xe3: {  	[tilespmem:s0], [sflag:$0x3] =	stream.indirect_vreg.gather [hbm4b:s2+s3], $0x80, v4, vm0, $0xb8;
	[tilespmem:$0x1E100] =	vst v63  }
0xe4: {  	s17 =	sld [smem:$0x7E8];
	v3 =	vadd.s32 v1, v3  }
0xe5: {  	[tilespmem:s16], [sflag:$0x3] =	stream.indirect_vreg.gather [hbm4b:s4+s3], $0x80, v4, vm0, $0xb8;
	[tilespmem:$0x1E100] =	vst v63  }
0xe6: {  	s16 =	sld [smem:$0x7E9]  }
0xe7: {  	[tilespmem:s17], [sflag:$0x3] =	stream.indirect_vreg.gather [hbm4b:s5+s3], $0x80, v4, vm1, $0xb8;
	[tilespmem:$0x1E100] =	vst v63  }
0xe8: {  	s17 =	sld [smem:$0x7EA]  }
0xe9: {  	[tilespmem:s16], [sflag:$0x3] =	stream.indirect_vreg.gather [hbm4b:s2+s3], $0x80, v3, vm0, $0xb8;
	[tilespmem:$0x1E100] =	vst v63  }
0xea: {  	s16 =	sld [smem:$0x7EB]  }
0xeb: {  	[tilespmem:s17], [sflag:$0x3] =	stream.indirect_vreg.gather [hbm4b:s4+s3], $0x80, v3, vm0, $0xb8;
	[tilespmem:$0x1E100] =	vst v63  }
0xec: {  	_ = 	snop  }
0xed: {  	[tilespmem:s16], [sflag:$0x3] =	stream.indirect_vreg.gather [hbm4b:s5+s3], $0x80, v3, vm1, $0xb8;
	[tilespmem:$0x1E100] =	vst v63  }
0xee: {  	v3 =	vld [tilespmem:$0x90];
	_ =	sdelay $0x4  }
0xef: {  	v57 =	vshrl.u32 v3, $0x3  }
0xf0: {  	v4 =	vmul.u32 $0x28, v57  }
0xf1: {  	v3 =	vand.u32 $0x7, v3  }
0xf2: {  	v3 =	vor.u32 v3, v4  }
0xf3: {  	v4 =	vperm.xlane v3, v0;
	_ =	sdelay $0x1  }
0xf4: {  	v4 =	vadd.s32 v1, v4;
	_ =	sdelay $0x1  }
0xf5: {  	s16 =	sld [smem:$0x7EC];
	_ =	sdelay $0x1  }
0xf6: {  	s17 =	sld [smem:$0x7ED];
	v3 =	vperm.xlane v3, v2  }
0xf7: {  	[tilespmem:s16], [sflag:$0x3] =	stream.indirect_vreg.gather [hbm4b:s2+s3], $0x80, v4, vm0, $0xb8;
	[tilespmem:$0x1E100] =	vst v63  }
0xf8: {  	v3 =	vadd.s32 v1, v3;
	s16 =	sld [smem:$0x7EE]  }
0xf9: {  	[tilespmem:s17], [sflag:$0x3] =	stream.indirect_vreg.gather [hbm4b:s4+s3], $0x80, v4, vm0, $0xb8;
	[tilespmem:$0x1E100] =	vst v63  }
0xfa: {  	s17 =	sld [smem:$0x7EF]  }
0xfb: {  	[tilespmem:s16], [sflag:$0x3] =	stream.indirect_vreg.gather [hbm4b:s5+s3], $0x80, v4, vm1, $0xb8;
	[tilespmem:$0x1E100] =	vst v63  }
0xfc: {  	s16 =	sld [smem:$0x7F0]  }
0xfd: {  	[tilespmem:s17], [sflag:$0x3] =	stream.indirect_vreg.gather [hbm4b:s2+s3], $0x80, v3, vm0, $0xb8;
	[tilespmem:$0x1E100] =	vst v63  }
0xfe: {  	s17 =	sld [smem:$0x7F1]  }
0xff: {  	[tilespmem:s16], [sflag:$0x3] =	stream.indirect_vreg.gather [hbm4b:s4+s3], $0x80, v3, vm0, $0xb8;
	[tilespmem:$0x1E100] =	vst v63  }
0x100: {  	_ = 	snop  }
0x101: {  	[tilespmem:s17], [sflag:$0x3] =	stream.indirect_vreg.gather [hbm4b:s5+s3], $0x80, v3, vm1, $0xb8;
	[tilespmem:$0x1E100] =	vst v63  }
0x102: {  	v3 =	vld [tilespmem:$0xA0];
	_ =	sdelay $0x4  }
0x103: {  	v58 =	vshrl.u32 v3, $0x3  }
0x104: {  	v4 =	vmul.u32 $0x28, v58  }
0x105: {  	v3 =	vand.u32 $0x7, v3  }
0x106: {  	v3 =	vor.u32 v3, v4  }
0x107: {  	v4 =	vperm.xlane v3, v0;
	_ =	sdelay $0x1  }
0x108: {  	v4 =	vadd.s32 v1, v4;
	_ =	sdelay $0x1  }
0x109: {  	s16 =	sld [smem:$0x7F2];
	_ =	sdelay $0x1  }
0x10a: {  	s17 =	sld [smem:$0x7F3];
	v3 =	vperm.xlane v3, v2  }
0x10b: {  	[tilespmem:s16], [sflag:$0x3] =	stream.indirect_vreg.gather [hbm4b:s2+s3], $0x80, v4, vm0, $0xb8;
	[tilespmem:$0x1E100] =	vst v63  }
0x10c: {  	v3 =	vadd.s32 v1, v3;
	s16 =	sld [smem:$0x7F4]  }
0x10d: {  	[tilespmem:s17], [sflag:$0x3] =	stream.indirect_vreg.gather [hbm4b:s4+s3], $0x80, v4, vm0, $0xb8;
	[tilespmem:$0x1E100] =	vst v63  }
0x10e: {  	s17 =	sld [smem:$0x7F5]  }
0x10f: {  	[tilespmem:s16], [sflag:$0x3] =	stream.indirect_vreg.gather [hbm4b:s5+s3], $0x80, v4, vm1, $0xb8;
	[tilespmem:$0x1E100] =	vst v63  }
0x110: {  	s16 =	sld [smem:$0x7F6]  }
0x111: {  	[tilespmem:s17], [sflag:$0x3] =	stream.indirect_vreg.gather [hbm4b:s2+s3], $0x80, v3, vm0, $0xb8;
	[tilespmem:$0x1E100] =	vst v63  }
0x112: {  	s17 =	sld [smem:$0x7F7]  }
0x113: {  	[tilespmem:s16], [sflag:$0x3] =	stream.indirect_vreg.gather [hbm4b:s4+s3], $0x80, v3, vm0, $0xb8;
	[tilespmem:$0x1E100] =	vst v63  }
0x114: {  	_ = 	snop  }
0x115: {  	[tilespmem:s17], [sflag:$0x3] =	stream.indirect_vreg.gather [hbm4b:s5+s3], $0x80, v3, vm1, $0xb8;
	[tilespmem:$0x1E100] =	vst v63  }
0x116: {  	v3 =	vld [tilespmem:$0xB0];
	_ =	sdelay $0x4  }
0x117: {  	v59 =	vshrl.u32 v3, $0x3  }
0x118: {  	v4 =	vmul.u32 $0x28, v59  }
0x119: {  	v3 =	vand.u32 $0x7, v3  }
0x11a: {  	v3 =	vor.u32 v3, v4  }
0x11b: {  	v4 =	vperm.xlane v3, v0;
	_ =	sdelay $0x1  }
0x11c: {  	v4 =	vadd.s32 v1, v4;
	_ =	sdelay $0x1  }
0x11d: {  	s16 =	sld [smem:$0x7F8];
	_ =	sdelay $0x1  }
0x11e: {  	s17 =	sld [smem:$0x7F9];
	v3 =	vperm.xlane v3, v2  }
0x11f: {  	[tilespmem:s16], [sflag:$0x3] =	stream.indirect_vreg.gather [hbm4b:s2+s3], $0x80, v4, vm0, $0xb8;
	[tilespmem:$0x1E100] =	vst v63  }
0x120: {  	v3 =	vadd.s32 v1, v3;
	s16 =	sld [smem:$0x7FA]  }
0x121: {  	[tilespmem:s17], [sflag:$0x3] =	stream.indirect_vreg.gather [hbm4b:s4+s3], $0x80, v4, vm0, $0xb8;
	[tilespmem:$0x1E100] =	vst v63  }
0x122: {  	s17 =	sld [smem:$0x7FB]  }
0x123: {  	[tilespmem:s16], [sflag:$0x3] =	stream.indirect_vreg.gather [hbm4b:s5+s3], $0x80, v4, vm1, $0xb8;
	[tilespmem:$0x1E100] =	vst v63  }
0x124: {  	s16 =	sld [smem:$0x7FC]  }
0x125: {  	[tilespmem:s17], [sflag:$0x3] =	stream.indirect_vreg.gather [hbm4b:s2+s3], $0x80, v3, vm0, $0xb8;
	[tilespmem:$0x1E100] =	vst v63  }
0x126: {  	s17 =	sld [smem:$0x7FD]  }
0x127: {  	[tilespmem:s16], [sflag:$0x3] =	stream.indirect_vreg.gather [hbm4b:s4+s3], $0x80, v3, vm0, $0xb8;
	[tilespmem:$0x1E100] =	vst v63  }
0x128: {  	_ = 	snop  }
0x129: {  	[tilespmem:s17], [sflag:$0x3] =	stream.indirect_vreg.gather [hbm4b:s5+s3], $0x80, v3, vm1, $0xb8;
	[tilespmem:$0x1E100] =	vst v63  }
0x12a: {  	_ =	swait.ge [sflag:s10], $0xA000  }
0x12b: {  	[sflag:s10] =	ssyncset.done $0x0  }
0x12c: {  	s17 =	rddreg [dreg:$0x5];
	[sflag:s10] =	ssyncadd.s32 $0xFFFF6000  }
0x12d: {  	[hbm4b:s17+s3] =	stream.linear.scatter [tilespmem:s1], [sflag:$0x4], $0xA000, $0x38;
	[tilespmem:$0x1E100] =	vst v63  }
0x12e: {  	_ =	swait.ge [sflag:s11], $0xA000  }
0x12f: {  	[sflag:s11] =	ssyncset.done $0x0  }
0x130: {  	[sflag:s11] =	ssyncadd.s32 $0xFFFF6000  }
0x131: {  	v3 =	vld [tilespmem:$0xC0];
	_ =	sdelay $0x4  }
0x132: {  	v60 =	vshrl.u32 v3, $0x3  }
0x133: {  	v4 =	vmul.u32 $0x28, v60  }
0x134: {  	v3 =	vand.u32 $0x7, v3  }
0x135: {  	v3 =	vor.u32 v3, v4  }
0x136: {  	v4 =	vperm.xlane v3, v0;
	_ =	sdelay $0x1  }
0x137: {  	v4 =	vadd.s32 v1, v4;
	_ =	sdelay $0x3  }
0x138: {  	v3 =	vperm.xlane v3, v2  }
0x139: {  	[tilespmem:s1], [sflag:$0x1] =	stream.indirect_vreg.gather [hbm4b:s2+s3], $0x80, v4, vm0, $0xb8;
	[tilespmem:$0x1E100] =	vst v63  }
0x13a: {  	v3 =	vadd.s32 v1, v3  }
0x13b: {  	[tilespmem:s18], [sflag:$0x1] =	stream.indirect_vreg.gather [hbm4b:s4+s3], $0x80, v4, vm0, $0xb8;
	[tilespmem:$0x1E100] =	vst v63  }
0x13c: {  	_ = 	snop  }
0x13d: {  	[tilespmem:s19], [sflag:$0x1] =	stream.indirect_vreg.gather [hbm4b:s5+s3], $0x80, v4, vm1, $0xb8;
	[tilespmem:$0x1E100] =	vst v63  }
0x13e: {  	_ = 	snop  }
0x13f: {  	[tilespmem:s20], [sflag:$0x1] =	stream.indirect_vreg.gather [hbm4b:s2+s3], $0x80, v3, vm0, $0xb8;
	[tilespmem:$0x1E100] =	vst v63  }
0x140: {  	_ = 	snop  }
0x141: {  	[tilespmem:s21], [sflag:$0x1] =	stream.indirect_vreg.gather [hbm4b:s4+s3], $0x80, v3, vm0, $0xb8;
	[tilespmem:$0x1E100] =	vst v63  }
0x142: {  	_ = 	snop  }
0x143: {  	[tilespmem:s22], [sflag:$0x1] =	stream.indirect_vreg.gather [hbm4b:s5+s3], $0x80, v3, vm1, $0xb8;
	[tilespmem:$0x1E100] =	vst v63  }
0x144: {  	v3 =	vld [tilespmem:$0xD0];
	_ =	sdelay $0x4  }
0x145: {  	v61 =	vshrl.u32 v3, $0x3  }
0x146: {  	v4 =	vmul.u32 $0x28, v61  }
0x147: {  	v3 =	vand.u32 $0x7, v3  }
0x148: {  	v3 =	vor.u32 v3, v4  }
0x149: {  	v4 =	vperm.xlane v3, v0;
	_ =	sdelay $0x1  }
0x14a: {  	v4 =	vadd.s32 v1, v4;
	_ =	sdelay $0x3  }
0x14b: {  	v3 =	vperm.xlane v3, v2  }
0x14c: {  	[tilespmem:s23], [sflag:$0x1] =	stream.indirect_vreg.gather [hbm4b:s2+s3], $0x80, v4, vm0, $0xb8;
	[tilespmem:$0x1E100] =	vst v63  }
0x14d: {  	v3 =	vadd.s32 v1, v3  }
0x14e: {  	[tilespmem:s24], [sflag:$0x1] =	stream.indirect_vreg.gather [hbm4b:s4+s3], $0x80, v4, vm0, $0xb8;
	[tilespmem:$0x1E100] =	vst v63  }
0x14f: {  	_ = 	snop  }
0x150: {  	[tilespmem:s25], [sflag:$0x1] =	stream.indirect_vreg.gather [hbm4b:s5+s3], $0x80, v4, vm1, $0xb8;
	[tilespmem:$0x1E100] =	vst v63  }
0x151: {  	_ = 	snop  }
0x152: {  	[tilespmem:s26], [sflag:$0x1] =	stream.indirect_vreg.gather [hbm4b:s2+s3], $0x80, v3, vm0, $0xb8;
	[tilespmem:$0x1E100] =	vst v63  }
0x153: {  	_ = 	snop  }
0x154: {  	[tilespmem:s28], [sflag:$0x1] =	stream.indirect_vreg.gather [hbm4b:s4+s3], $0x80, v3, vm0, $0xb8;
	[tilespmem:$0x1E100] =	vst v63  }
0x155: {  	_ = 	snop  }
0x156: {  	[tilespmem:s29], [sflag:$0x1] =	stream.indirect_vreg.gather [hbm4b:s5+s3], $0x80, v3, vm1, $0xb8;
	[tilespmem:$0x1E100] =	vst v63  }
0x157: {  	v3 =	vld [tilespmem:$0xE0];
	_ =	sdelay $0x4  }
0x158: {  	v62 =	vshrl.u32 v3, $0x3  }
0x159: {  	v4 =	vmul.u32 $0x28, v62  }
0x15a: {  	v3 =	vand.u32 $0x7, v3  }
0x15b: {  	v3 =	vor.u32 v3, v4  }
0x15c: {  	v4 =	vperm.xlane v3, v0;
	_ =	sdelay $0x1  }
0x15d: {  	v4 =	vadd.s32 v1, v4;
	_ =	sdelay $0x3  }
0x15e: {  	v3 =	vperm.xlane v3, v2  }
0x15f: {  	[tilespmem:s30], [sflag:$0x1] =	stream.indirect_vreg.gather [hbm4b:s2+s3], $0x80, v4, vm0, $0xb8;
	[tilespmem:$0x1E100] =	vst v63  }
0x160: {  	v3 =	vadd.s32 v1, v3  }
0x161: {  	[tilespmem:s31], [sflag:$0x1] =	stream.indirect_vreg.gather [hbm4b:s4+s3], $0x80, v4, vm0, $0xb8;
	[tilespmem:$0x1E100] =	vst v63  }
0x162: {  	s18 =	simm.s32 $0x6100  }
0x163: {  	[tilespmem:s18], [sflag:$0x1] =	stream.indirect_vreg.gather [hbm4b:s5+s3], $0x80, v4, vm1, $0xb8;
	[tilespmem:$0x1E100] =	vst v63  }
0x164: {  	s17 =	simm.s32 $0x6500  }
0x165: {  	[tilespmem:s17], [sflag:$0x1] =	stream.indirect_vreg.gather [hbm4b:s2+s3], $0x80, v3, vm0, $0xb8;
	[tilespmem:$0x1E100] =	vst v63  }
0x166: {  	_ = 	snop  }
0x167: {  	[tilespmem:s9], [sflag:$0x1] =	stream.indirect_vreg.gather [hbm4b:s4+s3], $0x80, v3, vm0, $0xb8;
	[tilespmem:$0x1E100] =	vst v63  }
0x168: {  	s18 =	simm.s32 $0x7500  }
0x169: {  	[tilespmem:s18], [sflag:$0x1] =	stream.indirect_vreg.gather [hbm4b:s5+s3], $0x80, v3, vm1, $0xb8;
	[tilespmem:$0x1E100] =	vst v63  }
0x16a: {  	v3 =	vld [tilespmem:$0xF0];
	_ =	sdelay $0x4  }
0x16b: {  	v63 =	vshrl.u32 v3, $0x3  }
0x16c: {  	v4 =	vmul.u32 $0x28, v63  }
0x16d: {  	v3 =	vand.u32 $0x7, v3  }
0x16e: {  	v3 =	vor.u32 v3, v4  }
0x16f: {  	v4 =	vperm.xlane v3, v0;
	_ =	sdelay $0x1  }
0x170: {  	v4 =	vadd.s32 v1, v4;
	_ =	sdelay $0x3  }
0x171: {  	v3 =	vperm.xlane v3, v2  }
0x172: {  	[tilespmem:s12], [sflag:$0x1] =	stream.indirect_vreg.gather [hbm4b:s2+s3], $0x80, v4, vm0, $0xb8;
	[tilespmem:$0x1E100] =	vst v63  }
0x173: {  	v3 =	vadd.s32 v1, v3  }
0x174: {  	[tilespmem:s13], [sflag:$0x1] =	stream.indirect_vreg.gather [hbm4b:s4+s3], $0x80, v4, vm0, $0xb8;
	[tilespmem:$0x1E100] =	vst v63  }
0x175: {  	_ = 	snop  }
0x176: {  	[tilespmem:s14], [sflag:$0x1] =	stream.indirect_vreg.gather [hbm4b:s5+s3], $0x80, v4, vm1, $0xb8;
	[tilespmem:$0x1E100] =	vst v63  }
0x177: {  	_ = 	snop  }
0x178: {  	[tilespmem:s15], [sflag:$0x1] =	stream.indirect_vreg.gather [hbm4b:s2+s3], $0x80, v3, vm0, $0xb8;
	[tilespmem:$0x1E100] =	vst v63  }
0x179: {  	_ = 	snop  }
0x17a: {  	[tilespmem:s8], [sflag:$0x1] =	stream.indirect_vreg.gather [hbm4b:s4+s3], $0x80, v3, vm0, $0xb8;
	[tilespmem:$0x1E100] =	vst v63  }
0x17b: {  	s16 =	simm.s32 $0x2;
	s9 =	simm.s32 $0x9D00  }
0x17c: {  	[tilespmem:s9], [sflag:$0x1] =	stream.indirect_vreg.gather [hbm4b:s5+s3], $0x80, v3, vm1, $0xb8;
	[tilespmem:$0x1E100] =	vst v63  }
0x17d: {  	_ =	swait.ge [sflag:s16], $0xA000  }
0x17e: {  	[sflag:s16] =	ssyncset.done $0x0  }
0x17f: {  	s18 =	simm.s32 $0x3;
	s17 =	rddreg [dreg:$0x6];
	[sflag:s16] =	ssyncadd.s32 $0xFFFF6000  }
0x180: {  	[hbm4b:s17+s3] =	stream.linear.scatter [tilespmem:s7], [sflag:$0x5], $0xA000, $0x38;
	[tilespmem:$0x1E100] =	vst v63  }
0x181: {  	_ =	swait.ge [sflag:s18], $0xA000  }
0x182: {  	[sflag:s18] =	ssyncset.done $0x0  }
0x183: {  	s8 =	rddreg [dreg:$0x7];
	[sflag:s18] =	ssyncadd.s32 $0xFFFF6000  }
0x184: {  	[hbm4b:s8+s3] =	stream.linear.scatter [tilespmem:s0], [sflag:$0x6], $0xA000, $0x38;
	[tilespmem:$0x1E100] =	vst v63  }
0x185: {  	_ =	swait.ge [sflag:s10], $0xA000  }
0x186: {  	[sflag:s10] =	ssyncset.done $0x0  }
0x187: {  	s17 =	simm.s32 $0x5;
	s9 =	rddreg [dreg:$0x8];
	[sflag:s10] =	ssyncadd.s32 $0xFFFF6000  }
0x188: {  	[hbm4b:s9+s3] =	stream.linear.scatter [tilespmem:s1], [sflag:$0x4], $0xA000, $0x38;
	[tilespmem:$0x1E100] =	vst v63  }
0x189: {  	_ =	swait.ge [sflag:s17], $0xA000  }
0x18a: {  	[sflag:s17] =	ssyncset.done $0x0  }
0x18b: {  	s18 =	simm.s32 $0x6;
	[sflag:s17] =	ssyncadd.s32 $0xFFFF6000  }
0x18c: {  	p0 =	sne.s32 s6, $0x1;
	_ =	swait.ge [sflag:s18], $0xA000  }
.Ltmp0:
0x18d: {  	[sflag:s18] =	ssyncset.done $0x0;
	(pc) =	sbr.rel @p0 .LBB2_1-.Ltmp0, $4  }
0x18e: {  	[sflag:s18] =	ssyncadd.s32 $0xFFFF6000  }
0x18f: {  	_ =	swait.ge [sflag:s11], $0xA000  }
0x190: {  	[sflag:s11] =	ssyncset.done $0x0  }
0x191: {  	s6 =	sadd.s32 $0xFFFFFFFF, s6;
	[sflag:s11] =	ssyncadd.s32 $0xFFFF6000  }
0x192: {  	_ =	sfence.sel $0x180000  }
0x193: {  	[bflag:$0x0] =	sbarrier.arrive $0xFFFF  }
0x194: {  	_ =	strace $0x90000047  }
0x195: {  	s0 =	stileid.u32;
	[bflag:$0x2] =	sbarrier.arrive $0xFFFF  }
0x196: {  	p0 =	sne.s32 s0, $0x0;
	s0 =	rddreg [dreg:$0x3]  }
0x197: {  	s0 =	sadd.s32 @!p0 $0x100000, s0  }
0x198: {  	[sflag:s0] =	ssyncadd.tile.s32 @!p0 $0x1;
	_ =	shalt  }
.Lfunc_end2:
_tile_overlayer_lowered:
.L_overlay_start_2:
0x199: {  	(tag) =	ssettag $0x2  }
0x19a: {  	s0 =	rddreg [dreg:$0x0];
	s2 =	stileid.u32  }
0x19b: {  	s1 =	rddreg [dreg:$0x1];
	p0 =	sne.s32 s2, $0x0  }
0x19c: {  	s3 =	rddreg [dreg:$0x2];
	[bflag:$0x3] =	sbarrier.arrive $0xFFFF;
	s2 =	simm.s32 @!p0 $0x1C07  }
0x19d: {  	[timem:s3], [sflag:s2] =	dma.local @!p0 [hbm:s0], s1  }
0x19e: {  	s0 =	simm.s32 @!p0 $0x7  }
0x19f: {  	_ =	swait.ge @!p0 [sflag:s0], s1  }
0x1a0: {  	s1 =	ssub.s32 @!p0 $0x0, s1;
	[sflag:s0] =	ssyncset.done @!p0 $0x0  }
0x1a1: {  	[sflag:s0] =	ssyncadd.s32 @!p0 s1  }
0x1a2: {  	[bflag:$0x3] =	sbarrier.arrive $0xFFFF  }
0x1a3: {  	_ =	shalt  }

</sc_bundles>
